<compile_context>
chip_gen: v7x
topology: tpu7x:2x2x1
jax: 0.10.2.dev20260603
libtpu: 0.0.44.dev20260713+nightly
codegen_flags: <defaults>
</compile_context>

<pallas_src>
import functools

import jax
import jax.numpy as jnp
from jax import lax
from jax.experimental import pallas as pl
from jax.experimental.pallas import tpu as pltpu
from jax.experimental.pallas import tpu_sc as plsc

NC = 2
NS = 16
NW = NC * NS


def _sc_gather_t(xT, tT):
    P, B = xT.shape
    D, V = tT.shape
    L = 16

    mesh = plsc.VectorSubcoreMesh(core_axis_name="c", subcore_axis_name="s")

    @functools.partial(
        pl.kernel,
        out_type=jax.ShapeDtypeStruct((P, D, B), jnp.float32),
        mesh=mesh,
        compiler_params=pltpu.CompilerParams(
            use_tc_tiling_on_sc=True, needs_layout_passes=False
        ),
        scratch_types=[
            pltpu.VMEM((V,), jnp.float32),
            pltpu.VMEM((4, B), jnp.int32),
            pltpu.VMEM((2, B), jnp.float32),
            pltpu.SemaphoreType.DMA,
            pltpu.SemaphoreType.DMA,
            pltpu.SemaphoreType.DMA,
            pltpu.SemaphoreType.DMA,
            pltpu.SemaphoreType.DMA,
            pltpu.SemaphoreType.DMA,
            pltpu.SemaphoreType.DMA,
        ],
    )
    def k(xT_hbm, tT_hbm, out_hbm, trow, idxb, outb, tsem,
          i0, i1, i2, i3, o0, o1):
        f = lax.axis_index("s") * NC + lax.axis_index("c")
        row_cp = pltpu.async_copy(tT_hbm.at[f], trow, tsem)
        isems = (i0, i1, i2, i3)
        osems = (o0, o1)

        def fire_idx(p, slot):
            pltpu.async_copy(xT_hbm.at[p], idxb.at[slot], isems[slot])

        def drain_idx(p, slot):
            pltpu.make_async_copy(xT_hbm.at[p], idxb.at[slot], isems[slot]).wait()

        def fire_out(p, slot):
            pltpu.async_copy(outb.at[slot], out_hbm.at[p, f], osems[slot])

        def drain_out(p, slot):
            pltpu.make_async_copy(outb.at[slot], out_hbm.at[p, f], osems[slot]).wait()

        for b in range(3):
            fire_idx(b, b)
        row_cp.wait()

        def compute(islot, oslot):
            @plsc.parallel_loop(0, B, step=L, unroll=8)
            def _(i):
                idx = idxb[islot, pl.ds(i, L)]
                outb[oslot, pl.ds(i, L)] = plsc.load_gather(trow, [idx])

        @pl.loop(0, P, step=4)
        def _(p4):
            for b in range(4):
                t = p4 + b

                @pl.when(t + 3 < P)
                def _():
                    fire_idx(t + 3, (b + 3) % 4)

                @pl.when(t >= 2)
                def _():
                    drain_out(t - 2, b % 2)

                drain_idx(t, b)
                compute(b, b % 2)
                fire_out(t, b % 2)

        drain_out(P - 2, 0)
        drain_out(P - 1, 1)

    return k(xT, tT)


def kernel(x, table):
    B0, B1 = x.shape
    D = table.shape[1]
    outT = _sc_gather_t(x.T, table.T)
    return outT.transpose(2, 0, 1)

# --- scband reference (transcript-rebuilt; emitter-appended) ---
"""Pipeline reference for scband-categorical-positional-embedding-34110630265429 (READ-ONLY COPY).

The authoritative reference and input builder live on the scoring server;
editing this copy changes nothing except your own understanding.
"""

import math
import jax, jax.numpy as jnp
import numpy as np

NUM_TYPES = 100000
EMBEDDING_DIM = 32
BASE = 10000.0


def _build_table(num_types, embedding_dim, base):
    positions = jnp.arange(num_types, dtype=jnp.float32)[:, None]
    freq_count = (embedding_dim + 1) // 2
    freqs = jnp.exp(-math.log(base) * jnp.arange(freq_count, dtype=jnp.float32) / max(freq_count, 1))
    angles = positions * freqs[None, :]
    table = jnp.concatenate([jnp.cos(angles), jnp.sin(angles)], axis=-1)[:, :embedding_dim]
    return table


def setup_inputs(seed: int = 0) -> dict:
    key = jax.random.key(seed)
    x = jax.random.randint(key, (4096, 200), 0, NUM_TYPES, dtype=jnp.int32)
    table = _build_table(NUM_TYPES, EMBEDDING_DIM, BASE)
    return {"x": x, "table": table}


def reference(x, table):
    # table[x] -> gather rows of the fixed sinusoidal table
    return jnp.take(table, x, axis=0)

if __name__ == "__main__":
    import jax
    _d = setup_inputs()
    print(jax.jit(kernel)(*tuple(_d.values())))

</pallas_src>

<mosaic_0001>
#map = affine_map<(d0, d1) -> (0, 0)>
#map1 = affine_map<(d0, d1) -> (0, 0, 0)>
module attributes {stable_mosaic.version = 14 : i64} {
  func.func @k(%arg0: i32, %arg1: i32, %arg2: memref<200x4096xi32, #tpu.memory_space<hbm>>, %arg3: memref<32x100000xf32, #tpu.memory_space<hbm>>, %arg4: memref<200x32x4096xf32, #tpu.memory_space<hbm>>, %arg5: memref<100000xf32, #tpu.memory_space<vmem>>, %arg6: memref<4x4096xi32, #tpu.memory_space<vmem>>, %arg7: memref<2x4096xf32, #tpu.memory_space<vmem>>, %arg8: memref<!tpu.dma_semaphore, #tpu.memory_space<semaphore_mem>>, %arg9: memref<!tpu.dma_semaphore, #tpu.memory_space<semaphore_mem>>, %arg10: memref<!tpu.dma_semaphore, #tpu.memory_space<semaphore_mem>>, %arg11: memref<!tpu.dma_semaphore, #tpu.memory_space<semaphore_mem>>, %arg12: memref<!tpu.dma_semaphore, #tpu.memory_space<semaphore_mem>>, %arg13: memref<!tpu.dma_semaphore, #tpu.memory_space<semaphore_mem>>, %arg14: memref<!tpu.dma_semaphore, #tpu.memory_space<semaphore_mem>>) attributes {dimension_semantics = [#tpu.dimension_semantics<core_parallel>, #tpu.dimension_semantics<subcore_parallel>], iteration_bounds = array<i64: 2, 16>, scalar_prefetch = 0 : i64, scratch_operands = 10 : i64, tpu.core_type = #tpu.core_type<sc_vector_subcore>, window_params = [{transform_indices = #map}, {transform_indices = #map}, {transform_indices = #map1}]} {
    %mul3A = arith.constant 2 : i32
    %mul3A_0 = arith.muli %arg1, %mul3A : i32
    %add3A = arith.addi %mul3A_0, %arg0 : i32
    %dma_start3A = arith.constant 0 : i32
    %dma_start3A_1 = tpu.memref_slice %arg3[%add3A, %dma_start3A] : memref<32x100000xf32, #tpu.memory_space<hbm>> -> memref<1x100000xf32, #tpu.memory_space<hbm>>
    %dma_start3A_2 = tpu.memref_squeeze %dma_start3A_1 : memref<1x100000xf32, #tpu.memory_space<hbm>> -> memref<100000xf32, #tpu.memory_space<hbm>>
    %dma_start3A_3 = arith.constant 0 : i32
    %dma_start3A_4 = tpu.memref_slice %arg3[%add3A, %dma_start3A_3] : memref<32x100000xf32, #tpu.memory_space<hbm>> -> memref<1x100000xf32, #tpu.memory_space<hbm>>
    %dma_start3A_5 = tpu.memref_squeeze %dma_start3A_4 : memref<1x100000xf32, #tpu.memory_space<hbm>> -> memref<100000xf32, #tpu.memory_space<hbm>>
    tpu.enqueue_dma source(%dma_start3A_5 : memref<100000xf32, #tpu.memory_space<hbm>>) target(%arg5 : memref<100000xf32, #tpu.memory_space<vmem>>) target_semaphore(%arg8 : memref<!tpu.dma_semaphore, #tpu.memory_space<semaphore_mem>>)
    %dma_start3A_6 = arith.constant 0 : i32
    %dma_start3A_7 = arith.constant 0 : i32
    %dma_start3A_8 = arith.constant 0 : i32
    %dma_start3A_9 = tpu.memref_slice %arg6[%dma_start3A_7, %dma_start3A_8] : memref<4x4096xi32, #tpu.memory_space<vmem>> -> memref<1x4096xi32, #tpu.memory_space<vmem>>
    %dma_start3A_10 = tpu.memref_squeeze %dma_start3A_9 : memref<1x4096xi32, #tpu.memory_space<vmem>> -> memref<4096xi32, #tpu.memory_space<vmem>>
    %dma_start3A_11 = arith.constant 0 : i32
    %dma_start3A_12 = tpu.memref_slice %arg2[%dma_start3A_6, %dma_start3A_11] : memref<200x4096xi32, #tpu.memory_space<hbm>> -> memref<1x4096xi32, #tpu.memory_space<hbm>>
    %dma_start3A_13 = tpu.memref_squeeze %dma_start3A_12 : memref<1x4096xi32, #tpu.memory_space<hbm>> -> memref<4096xi32, #tpu.memory_space<hbm>>
    %dma_start3A_14 = arith.constant 0 : i32
    %dma_start3A_15 = tpu.memref_slice %arg6[%dma_start3A_7, %dma_start3A_14] : memref<4x4096xi32, #tpu.memory_space<vmem>> -> memref<1x4096xi32, #tpu.memory_space<vmem>>
    %dma_start3A_16 = tpu.memref_squeeze %dma_start3A_15 : memref<1x4096xi32, #tpu.memory_space<vmem>> -> memref<4096xi32, #tpu.memory_space<vmem>>
    %dma_start3A_17 = arith.constant 0 : i32
    %dma_start3A_18 = tpu.memref_slice %arg2[%dma_start3A_6, %dma_start3A_17] : memref<200x4096xi32, #tpu.memory_space<hbm>> -> memref<1x4096xi32, #tpu.memory_space<hbm>>
    %dma_start3A_19 = tpu.memref_squeeze %dma_start3A_18 : memref<1x4096xi32, #tpu.memory_space<hbm>> -> memref<4096xi32, #tpu.memory_space<hbm>>
    tpu.enqueue_dma source(%dma_start3A_19 : memref<4096xi32, #tpu.memory_space<hbm>>) target(%dma_start3A_16 : memref<4096xi32, #tpu.memory_space<vmem>>) target_semaphore(%arg9 : memref<!tpu.dma_semaphore, #tpu.memory_space<semaphore_mem>>)
    %dma_start3A_20 = arith.constant 1 : i32
    %dma_start3A_21 = arith.constant 1 : i32
    %dma_start3A_22 = arith.constant 0 : i32
    %dma_start3A_23 = tpu.memref_slice %arg6[%dma_start3A_21, %dma_start3A_22] : memref<4x4096xi32, #tpu.memory_space<vmem>> -> memref<1x4096xi32, #tpu.memory_space<vmem>>
    %dma_start3A_24 = tpu.memref_squeeze %dma_start3A_23 : memref<1x4096xi32, #tpu.memory_space<vmem>> -> memref<4096xi32, #tpu.memory_space<vmem>>
    %dma_start3A_25 = arith.constant 0 : i32
    %dma_start3A_26 = tpu.memref_slice %arg2[%dma_start3A_20, %dma_start3A_25] : memref<200x4096xi32, #tpu.memory_space<hbm>> -> memref<1x4096xi32, #tpu.memory_space<hbm>>
    %dma_start3A_27 = tpu.memref_squeeze %dma_start3A_26 : memref<1x4096xi32, #tpu.memory_space<hbm>> -> memref<4096xi32, #tpu.memory_space<hbm>>
    %dma_start3A_28 = arith.constant 0 : i32
    %dma_start3A_29 = tpu.memref_slice %arg6[%dma_start3A_21, %dma_start3A_28] : memref<4x4096xi32, #tpu.memory_space<vmem>> -> memref<1x4096xi32, #tpu.memory_space<vmem>>
    %dma_start3A_30 = tpu.memref_squeeze %dma_start3A_29 : memref<1x4096xi32, #tpu.memory_space<vmem>> -> memref<4096xi32, #tpu.memory_space<vmem>>
    %dma_start3A_31 = arith.constant 0 : i32
    %dma_start3A_32 = tpu.memref_slice %arg2[%dma_start3A_20, %dma_start3A_31] : memref<200x4096xi32, #tpu.memory_space<hbm>> -> memref<1x4096xi32, #tpu.memory_space<hbm>>
    %dma_start3A_33 = tpu.memref_squeeze %dma_start3A_32 : memref<1x4096xi32, #tpu.memory_space<hbm>> -> memref<4096xi32, #tpu.memory_space<hbm>>
    tpu.enqueue_dma source(%dma_start3A_33 : memref<4096xi32, #tpu.memory_space<hbm>>) target(%dma_start3A_30 : memref<4096xi32, #tpu.memory_space<vmem>>) target_semaphore(%arg10 : memref<!tpu.dma_semaphore, #tpu.memory_space<semaphore_mem>>)
    %dma_start3A_34 = arith.constant 2 : i32
    %dma_start3A_35 = arith.constant 2 : i32
    %dma_start3A_36 = arith.constant 0 : i32
    %dma_start3A_37 = tpu.memref_slice %arg6[%dma_start3A_35, %dma_start3A_36] : memref<4x4096xi32, #tpu.memory_space<vmem>> -> memref<1x4096xi32, #tpu.memory_space<vmem>>
    %dma_start3A_38 = tpu.memref_squeeze %dma_start3A_37 : memref<1x4096xi32, #tpu.memory_space<vmem>> -> memref<4096xi32, #tpu.memory_space<vmem>>
    %dma_start3A_39 = arith.constant 0 : i32
    %dma_start3A_40 = tpu.memref_slice %arg2[%dma_start3A_34, %dma_start3A_39] : memref<200x4096xi32, #tpu.memory_space<hbm>> -> memref<1x4096xi32, #tpu.memory_space<hbm>>
    %dma_start3A_41 = tpu.memref_squeeze %dma_start3A_40 : memref<1x4096xi32, #tpu.memory_space<hbm>> -> memref<4096xi32, #tpu.memory_space<hbm>>
    %dma_start3A_42 = arith.constant 0 : i32
    %dma_start3A_43 = tpu.memref_slice %arg6[%dma_start3A_35, %dma_start3A_42] : memref<4x4096xi32, #tpu.memory_space<vmem>> -> memref<1x4096xi32, #tpu.memory_space<vmem>>
    %dma_start3A_44 = tpu.memref_squeeze %dma_start3A_43 : memref<1x4096xi32, #tpu.memory_space<vmem>> -> memref<4096xi32, #tpu.memory_space<vmem>>
    %dma_start3A_45 = arith.constant 0 : i32
    %dma_start3A_46 = tpu.memref_slice %arg2[%dma_start3A_34, %dma_start3A_45] : memref<200x4096xi32, #tpu.memory_space<hbm>> -> memref<1x4096xi32, #tpu.memory_space<hbm>>
    %dma_start3A_47 = tpu.memref_squeeze %dma_start3A_46 : memref<1x4096xi32, #tpu.memory_space<hbm>> -> memref<4096xi32, #tpu.memory_space<hbm>>
    tpu.enqueue_dma source(%dma_start3A_47 : memref<4096xi32, #tpu.memory_space<hbm>>) target(%dma_start3A_44 : memref<4096xi32, #tpu.memory_space<vmem>>) target_semaphore(%arg11 : memref<!tpu.dma_semaphore, #tpu.memory_space<semaphore_mem>>)
    %dma_wait3A = arith.constant 0 : i32
    %dma_wait3A_48 = tpu.memref_slice %arg3[%add3A, %dma_wait3A] : memref<32x100000xf32, #tpu.memory_space<hbm>> -> memref<1x100000xf32, #tpu.memory_space<hbm>>
    %dma_wait3A_49 = tpu.memref_squeeze %dma_wait3A_48 : memref<1x100000xf32, #tpu.memory_space<hbm>> -> memref<100000xf32, #tpu.memory_space<hbm>>
    %dma_wait3A_50 = arith.constant 0 : i32
    %dma_wait3A_51 = tpu.memref_slice %arg3[%add3A, %dma_wait3A_50] : memref<32x100000xf32, #tpu.memory_space<hbm>> -> memref<1x100000xf32, #tpu.memory_space<hbm>>
    %dma_wait3A_52 = tpu.memref_squeeze %dma_wait3A_51 : memref<1x100000xf32, #tpu.memory_space<hbm>> -> memref<100000xf32, #tpu.memory_space<hbm>>
    tpu.wait_dma2 semaphore(%arg8 : memref<!tpu.dma_semaphore, #tpu.memory_space<semaphore_mem>>) src(%dma_wait3A_52 : memref<100000xf32, #tpu.memory_space<hbm>>) dst(%arg5 : memref<100000xf32, #tpu.memory_space<vmem>>)
    %scan3A = arith.constant 0 : i32
    %scan3A_53 = arith.constant 50 : i32
    %scan3A_54 = arith.addi %scan3A, %scan3A_53 : i32
    %scan3A_55 = arith.constant 1 : i32
    scf.for %scan3A_85 = %scan3A to %scan3A_54 step %scan3A_55  : i32 {
      %mul3A_86 = arith.constant 4 : i32
      %mul3A_87 = arith.muli %scan3A_85, %mul3A_86 : i32
      %add3A_88 = arith.constant 0 : i32
      %add3A_89 = arith.addi %add3A_88, %mul3A_87 : i32
      %add3A_90 = arith.constant 0 : i32
      %add3A_91 = arith.addi %add3A_89, %add3A_90 : i32
      %add3A_92 = arith.constant 3 : i32
      %add3A_93 = arith.addi %add3A_91, %add3A_92 : i32
      %lt3A = arith.constant 200 : i32
      %lt3A_94 = arith.cmpi slt, %add3A_93, %lt3A : i32
      %convert_element_type3A = arith.extui %lt3A_94 : i1 to i32
      %cond3A = arith.constant 0 : i32
      %cond3A_95 = arith.cmpi ne, %convert_element_type3A, %cond3A : i32
      scf.if %cond3A_95 {
        %add3A_257 = arith.constant 3 : i32
        %add3A_258 = arith.addi %add3A_91, %add3A_257 : i32
        %dma_start3A_259 = arith.constant 3 : i32
        %dma_start3A_260 = arith.constant 0 : i32
        %dma_start3A_261 = tpu.memref_slice %arg6[%dma_start3A_259, %dma_start3A_260] : memref<4x4096xi32, #tpu.memory_space<vmem>> -> memref<1x4096xi32, #tpu.memory_space<vmem>>
        %dma_start3A_262 = tpu.memref_squeeze %dma_start3A_261 : memref<1x4096xi32, #tpu.memory_space<vmem>> -> memref<4096xi32, #tpu.memory_space<vmem>>
        %dma_start3A_263 = arith.constant 0 : i32
        %dma_start3A_264 = tpu.memref_slice %arg2[%add3A_258, %dma_start3A_263] : memref<200x4096xi32, #tpu.memory_space<hbm>> -> memref<1x4096xi32, #tpu.memory_space<hbm>>
        %dma_start3A_265 = tpu.memref_squeeze %dma_start3A_264 : memref<1x4096xi32, #tpu.memory_space<hbm>> -> memref<4096xi32, #tpu.memory_space<hbm>>
        %dma_start3A_266 = arith.constant 0 : i32
        %dma_start3A_267 = tpu.memref_slice %arg6[%dma_start3A_259, %dma_start3A_266] : memref<4x4096xi32, #tpu.memory_space<vmem>> -> memref<1x4096xi32, #tpu.memory_space<vmem>>
        %dma_start3A_268 = tpu.memref_squeeze %dma_start3A_267 : memref<1x4096xi32, #tpu.memory_space<vmem>> -> memref<4096xi32, #tpu.memory_space<vmem>>
        %dma_start3A_269 = arith.constant 0 : i32
        %dma_start3A_270 = tpu.memref_slice %arg2[%add3A_258, %dma_start3A_269] : memref<200x4096xi32, #tpu.memory_space<hbm>> -> memref<1x4096xi32, #tpu.memory_space<hbm>>
        %dma_start3A_271 = tpu.memref_squeeze %dma_start3A_270 : memref<1x4096xi32, #tpu.memory_space<hbm>> -> memref<4096xi32, #tpu.memory_space<hbm>>
        tpu.enqueue_dma source(%dma_start3A_271 : memref<4096xi32, #tpu.memory_space<hbm>>) target(%dma_start3A_268 : memref<4096xi32, #tpu.memory_space<vmem>>) target_semaphore(%arg12 : memref<!tpu.dma_semaphore, #tpu.memory_space<semaphore_mem>>)
      } else {
      }
      %ge3A = arith.constant 2 : i32
      %ge3A_96 = arith.cmpi sge, %add3A_91, %ge3A : i32
      %convert_element_type3A_97 = arith.extui %ge3A_96 : i1 to i32
      %cond3A_98 = arith.constant 0 : i32
      %cond3A_99 = arith.cmpi ne, %convert_element_type3A_97, %cond3A_98 : i32
      scf.if %cond3A_99 {
        %sub3A = arith.constant 2 : i32
        %sub3A_257 = arith.subi %add3A_91, %sub3A : i32
        %dma_wait3A_258 = arith.constant 0 : i32
        %dma_wait3A_259 = arith.constant 0 : i32
        %dma_wait3A_260 = tpu.memref_slice %arg7[%dma_wait3A_258, %dma_wait3A_259] : memref<2x4096xf32, #tpu.memory_space<vmem>> -> memref<1x4096xf32, #tpu.memory_space<vmem>>
        %dma_wait3A_261 = tpu.memref_squeeze %dma_wait3A_260 : memref<1x4096xf32, #tpu.memory_space<vmem>> -> memref<4096xf32, #tpu.memory_space<vmem>>
        %dma_wait3A_262 = arith.constant 0 : i32
        %dma_wait3A_263 = tpu.memref_slice %arg4[%sub3A_257, %add3A, %dma_wait3A_262] : memref<200x32x4096xf32, #tpu.memory_space<hbm>> -> memref<1x1x4096xf32, #tpu.memory_space<hbm>>
        %dma_wait3A_264 = tpu.memref_squeeze %dma_wait3A_263 : memref<1x1x4096xf32, #tpu.memory_space<hbm>> -> memref<4096xf32, #tpu.memory_space<hbm>>
        %dma_wait3A_265 = arith.constant 0 : i32
        %dma_wait3A_266 = tpu.memref_slice %arg4[%sub3A_257, %add3A, %dma_wait3A_265] : memref<200x32x4096xf32, #tpu.memory_space<hbm>> -> memref<1x1x4096xf32, #tpu.memory_space<hbm>>
        %dma_wait3A_267 = tpu.memref_squeeze %dma_wait3A_266 : memref<1x1x4096xf32, #tpu.memory_space<hbm>> -> memref<4096xf32, #tpu.memory_space<hbm>>
        %dma_wait3A_268 = arith.constant 0 : i32
        %dma_wait3A_269 = tpu.memref_slice %arg7[%dma_wait3A_258, %dma_wait3A_268] : memref<2x4096xf32, #tpu.memory_space<vmem>> -> memref<1x4096xf32, #tpu.memory_space<vmem>>
        %dma_wait3A_270 = tpu.memref_squeeze %dma_wait3A_269 : memref<1x4096xf32, #tpu.memory_space<vmem>> -> memref<4096xf32, #tpu.memory_space<vmem>>
        tpu.wait_dma2 semaphore(%arg13 : memref<!tpu.dma_semaphore, #tpu.memory_space<semaphore_mem>>) src(%dma_wait3A_270 : memref<4096xf32, #tpu.memory_space<vmem>>) dst(%dma_wait3A_267 : memref<4096xf32, #tpu.memory_space<hbm>>)
      } else {
      }
      %dma_wait3A_100 = arith.constant 0 : i32
      %dma_wait3A_101 = arith.constant 0 : i32
      %dma_wait3A_102 = tpu.memref_slice %arg6[%dma_wait3A_100, %dma_wait3A_101] : memref<4x4096xi32, #tpu.memory_space<vmem>> -> memref<1x4096xi32, #tpu.memory_space<vmem>>
      %dma_wait3A_103 = tpu.memref_squeeze %dma_wait3A_102 : memref<1x4096xi32, #tpu.memory_space<vmem>> -> memref<4096xi32, #tpu.memory_space<vmem>>
      %dma_wait3A_104 = arith.constant 0 : i32
      %dma_wait3A_105 = tpu.memref_slice %arg2[%add3A_91, %dma_wait3A_104] : memref<200x4096xi32, #tpu.memory_space<hbm>> -> memref<1x4096xi32, #tpu.memory_space<hbm>>
      %dma_wait3A_106 = tpu.memref_squeeze %dma_wait3A_105 : memref<1x4096xi32, #tpu.memory_space<hbm>> -> memref<4096xi32, #tpu.memory_space<hbm>>
      %dma_wait3A_107 = arith.constant 0 : i32
      %dma_wait3A_108 = tpu.memref_slice %arg6[%dma_wait3A_100, %dma_wait3A_107] : memref<4x4096xi32, #tpu.memory_space<vmem>> -> memref<1x4096xi32, #tpu.memory_space<vmem>>
      %dma_wait3A_109 = tpu.memref_squeeze %dma_wait3A_108 : memref<1x4096xi32, #tpu.memory_space<vmem>> -> memref<4096xi32, #tpu.memory_space<vmem>>
      %dma_wait3A_110 = arith.constant 0 : i32
      %dma_wait3A_111 = tpu.memref_slice %arg2[%add3A_91, %dma_wait3A_110] : memref<200x4096xi32, #tpu.memory_space<hbm>> -> memref<1x4096xi32, #tpu.memory_space<hbm>>
      %dma_wait3A_112 = tpu.memref_squeeze %dma_wait3A_111 : memref<1x4096xi32, #tpu.memory_space<hbm>> -> memref<4096xi32, #tpu.memory_space<hbm>>
      tpu.wait_dma2 semaphore(%arg9 : memref<!tpu.dma_semaphore, #tpu.memory_space<semaphore_mem>>) src(%dma_wait3A_112 : memref<4096xi32, #tpu.memory_space<hbm>>) dst(%dma_wait3A_109 : memref<4096xi32, #tpu.memory_space<vmem>>)
      %parallel_loop3A = arith.constant 0 : i32
      %parallel_loop3A_113 = arith.constant 4096 : i32
      %parallel_loop3A_114 = arith.constant 16 : i32
      scf.for %parallel_loop3A_257 = %parallel_loop3A to %parallel_loop3A_113 step %parallel_loop3A_114  : i32 {
        %parallel_loop3A_258 = arith.constant 0 : i32
        %parallel_loop3A_259 = arith.index_cast %parallel_loop3A_258 : i32 to index
        %parallel_loop3A_260 = arith.index_cast %parallel_loop3A_257 : i32 to index
        %parallel_loop3A_261 = tpu.vector_load %arg6[%parallel_loop3A_259, %parallel_loop3A_260] {strides = array<i32>} : memref<4x4096xi32, #tpu.memory_space<vmem>>, vector<16xi32>,
        %parallel_loop3A_262 = tpu.vector_load_idx %arg5[%parallel_loop3A_261] : memref<100000xf32, #tpu.memory_space<vmem>>[vector<16xi32>], vector<16xf32>,
        %parallel_loop3A_263 = arith.constant 0 : i32
        %parallel_loop3A_264 = arith.index_cast %parallel_loop3A_263 : i32 to index
        %parallel_loop3A_265 = arith.index_cast %parallel_loop3A_257 : i32 to index
        %parallel_loop3A_266 = tpu.vector_load %arg7[%parallel_loop3A_264, %parallel_loop3A_265] {strides = array<i32>} : memref<2x4096xf32, #tpu.memory_space<vmem>>, vector<16xf32>,
        tpu.vector_store %arg7[%parallel_loop3A_264, %parallel_loop3A_265], %parallel_loop3A_262 {strides = array<i32>} : memref<2x4096xf32, #tpu.memory_space<vmem>>, vector<16xf32>,
      } {sc.loop_unroll_factor = 8 : i64, sc.parallel_access}
      %dma_start3A_115 = arith.constant 0 : i32
      %dma_start3A_116 = arith.constant 0 : i32
      %dma_start3A_117 = tpu.memref_slice %arg7[%dma_start3A_115, %dma_start3A_116] : memref<2x4096xf32, #tpu.memory_space<vmem>> -> memref<1x4096xf32, #tpu.memory_space<vmem>>
      %dma_start3A_118 = tpu.memref_squeeze %dma_start3A_117 : memref<1x4096xf32, #tpu.memory_space<vmem>> -> memref<4096xf32, #tpu.memory_space<vmem>>
      %dma_start3A_119 = arith.constant 0 : i32
      %dma_start3A_120 = tpu.memref_slice %arg4[%add3A_91, %add3A, %dma_start3A_119] : memref<200x32x4096xf32, #tpu.memory_space<hbm>> -> memref<1x1x4096xf32, #tpu.memory_space<hbm>>
      %dma_start3A_121 = tpu.memref_squeeze %dma_start3A_120 : memref<1x1x4096xf32, #tpu.memory_space<hbm>> -> memref<4096xf32, #tpu.memory_space<hbm>>
      %dma_start3A_122 = arith.constant 0 : i32
      %dma_start3A_123 = tpu.memref_slice %arg4[%add3A_91, %add3A, %dma_start3A_122] : memref<200x32x4096xf32, #tpu.memory_space<hbm>> -> memref<1x1x4096xf32, #tpu.memory_space<hbm>>
      %dma_start3A_124 = tpu.memref_squeeze %dma_start3A_123 : memref<1x1x4096xf32, #tpu.memory_space<hbm>> -> memref<4096xf32, #tpu.memory_space<hbm>>
      %dma_start3A_125 = arith.constant 0 : i32
      %dma_start3A_126 = tpu.memref_slice %arg7[%dma_start3A_115, %dma_start3A_125] : memref<2x4096xf32, #tpu.memory_space<vmem>> -> memref<1x4096xf32, #tpu.memory_space<vmem>>
      %dma_start3A_127 = tpu.memref_squeeze %dma_start3A_126 : memref<1x4096xf32, #tpu.memory_space<vmem>> -> memref<4096xf32, #tpu.memory_space<vmem>>
      tpu.enqueue_dma source(%dma_start3A_127 : memref<4096xf32, #tpu.memory_space<vmem>>) target(%dma_start3A_124 : memref<4096xf32, #tpu.memory_space<hbm>>) target_semaphore(%arg13 : memref<!tpu.dma_semaphore, #tpu.memory_space<semaphore_mem>>)
      %add3A_128 = arith.constant 1 : i32
      %add3A_129 = arith.addi %add3A_89, %add3A_128 : i32
      %add3A_130 = arith.constant 3 : i32
      %add3A_131 = arith.addi %add3A_129, %add3A_130 : i32
      %lt3A_132 = arith.constant 200 : i32
      %lt3A_133 = arith.cmpi slt, %add3A_131, %lt3A_132 : i32
      %convert_element_type3A_134 = arith.extui %lt3A_133 : i1 to i32
      %cond3A_135 = arith.constant 0 : i32
      %cond3A_136 = arith.cmpi ne, %convert_element_type3A_134, %cond3A_135 : i32
      scf.if %cond3A_136 {
        %add3A_257 = arith.constant 3 : i32
        %add3A_258 = arith.addi %add3A_129, %add3A_257 : i32
        %dma_start3A_259 = arith.constant 0 : i32
        %dma_start3A_260 = arith.constant 0 : i32
        %dma_start3A_261 = tpu.memref_slice %arg6[%dma_start3A_259, %dma_start3A_260] : memref<4x4096xi32, #tpu.memory_space<vmem>> -> memref<1x4096xi32, #tpu.memory_space<vmem>>
        %dma_start3A_262 = tpu.memref_squeeze %dma_start3A_261 : memref<1x4096xi32, #tpu.memory_space<vmem>> -> memref<4096xi32, #tpu.memory_space<vmem>>
        %dma_start3A_263 = arith.constant 0 : i32
        %dma_start3A_264 = tpu.memref_slice %arg2[%add3A_258, %dma_start3A_263] : memref<200x4096xi32, #tpu.memory_space<hbm>> -> memref<1x4096xi32, #tpu.memory_space<hbm>>
        %dma_start3A_265 = tpu.memref_squeeze %dma_start3A_264 : memref<1x4096xi32, #tpu.memory_space<hbm>> -> memref<4096xi32, #tpu.memory_space<hbm>>
        %dma_start3A_266 = arith.constant 0 : i32
        %dma_start3A_267 = tpu.memref_slice %arg6[%dma_start3A_259, %dma_start3A_266] : memref<4x4096xi32, #tpu.memory_space<vmem>> -> memref<1x4096xi32, #tpu.memory_space<vmem>>
        %dma_start3A_268 = tpu.memref_squeeze %dma_start3A_267 : memref<1x4096xi32, #tpu.memory_space<vmem>> -> memref<4096xi32, #tpu.memory_space<vmem>>
        %dma_start3A_269 = arith.constant 0 : i32
        %dma_start3A_270 = tpu.memref_slice %arg2[%add3A_258, %dma_start3A_269] : memref<200x4096xi32, #tpu.memory_space<hbm>> -> memref<1x4096xi32, #tpu.memory_space<hbm>>
        %dma_start3A_271 = tpu.memref_squeeze %dma_start3A_270 : memref<1x4096xi32, #tpu.memory_space<hbm>> -> memref<4096xi32, #tpu.memory_space<hbm>>
        tpu.enqueue_dma source(%dma_start3A_271 : memref<4096xi32, #tpu.memory_space<hbm>>) target(%dma_start3A_268 : memref<4096xi32, #tpu.memory_space<vmem>>) target_semaphore(%arg9 : memref<!tpu.dma_semaphore, #tpu.memory_space<semaphore_mem>>)
      } else {
      }
      %ge3A_137 = arith.constant 2 : i32
      %ge3A_138 = arith.cmpi sge, %add3A_129, %ge3A_137 : i32
      %convert_element_type3A_139 = arith.extui %ge3A_138 : i1 to i32
      %cond3A_140 = arith.constant 0 : i32
      %cond3A_141 = arith.cmpi ne, %convert_element_type3A_139, %cond3A_140 : i32
      scf.if %cond3A_141 {
        %sub3A = arith.constant 2 : i32
        %sub3A_257 = arith.subi %add3A_129, %sub3A : i32
        %dma_wait3A_258 = arith.constant 1 : i32
        %dma_wait3A_259 = arith.constant 0 : i32
        %dma_wait3A_260 = tpu.memref_slice %arg7[%dma_wait3A_258, %dma_wait3A_259] : memref<2x4096xf32, #tpu.memory_space<vmem>> -> memref<1x4096xf32, #tpu.memory_space<vmem>>
        %dma_wait3A_261 = tpu.memref_squeeze %dma_wait3A_260 : memref<1x4096xf32, #tpu.memory_space<vmem>> -> memref<4096xf32, #tpu.memory_space<vmem>>
        %dma_wait3A_262 = arith.constant 0 : i32
        %dma_wait3A_263 = tpu.memref_slice %arg4[%sub3A_257, %add3A, %dma_wait3A_262] : memref<200x32x4096xf32, #tpu.memory_space<hbm>> -> memref<1x1x4096xf32, #tpu.memory_space<hbm>>
        %dma_wait3A_264 = tpu.memref_squeeze %dma_wait3A_263 : memref<1x1x4096xf32, #tpu.memory_space<hbm>> -> memref<4096xf32, #tpu.memory_space<hbm>>
        %dma_wait3A_265 = arith.constant 0 : i32
        %dma_wait3A_266 = tpu.memref_slice %arg4[%sub3A_257, %add3A, %dma_wait3A_265] : memref<200x32x4096xf32, #tpu.memory_space<hbm>> -> memref<1x1x4096xf32, #tpu.memory_space<hbm>>
        %dma_wait3A_267 = tpu.memref_squeeze %dma_wait3A_266 : memref<1x1x4096xf32, #tpu.memory_space<hbm>> -> memref<4096xf32, #tpu.memory_space<hbm>>
        %dma_wait3A_268 = arith.constant 0 : i32
        %dma_wait3A_269 = tpu.memref_slice %arg7[%dma_wait3A_258, %dma_wait3A_268] : memref<2x4096xf32, #tpu.memory_space<vmem>> -> memref<1x4096xf32, #tpu.memory_space<vmem>>
        %dma_wait3A_270 = tpu.memref_squeeze %dma_wait3A_269 : memref<1x4096xf32, #tpu.memory_space<vmem>> -> memref<4096xf32, #tpu.memory_space<vmem>>
        tpu.wait_dma2 semaphore(%arg14 : memref<!tpu.dma_semaphore, #tpu.memory_space<semaphore_mem>>) src(%dma_wait3A_270 : memref<4096xf32, #tpu.memory_space<vmem>>) dst(%dma_wait3A_267 : memref<4096xf32, #tpu.memory_space<hbm>>)
      } else {
      }
      %dma_wait3A_142 = arith.constant 1 : i32
      %dma_wait3A_143 = arith.constant 0 : i32
      %dma_wait3A_144 = tpu.memref_slice %arg6[%dma_wait3A_142, %dma_wait3A_143] : memref<4x4096xi32, #tpu.memory_space<vmem>> -> memref<1x4096xi32, #tpu.memory_space<vmem>>
      %dma_wait3A_145 = tpu.memref_squeeze %dma_wait3A_144 : memref<1x4096xi32, #tpu.memory_space<vmem>> -> memref<4096xi32, #tpu.memory_space<vmem>>
      %dma_wait3A_146 = arith.constant 0 : i32
      %dma_wait3A_147 = tpu.memref_slice %arg2[%add3A_129, %dma_wait3A_146] : memref<200x4096xi32, #tpu.memory_space<hbm>> -> memref<1x4096xi32, #tpu.memory_space<hbm>>
      %dma_wait3A_148 = tpu.memref_squeeze %dma_wait3A_147 : memref<1x4096xi32, #tpu.memory_space<hbm>> -> memref<4096xi32, #tpu.memory_space<hbm>>
      %dma_wait3A_149 = arith.constant 0 : i32
      %dma_wait3A_150 = tpu.memref_slice %arg6[%dma_wait3A_142, %dma_wait3A_149] : memref<4x4096xi32, #tpu.memory_space<vmem>> -> memref<1x4096xi32, #tpu.memory_space<vmem>>
      %dma_wait3A_151 = tpu.memref_squeeze %dma_wait3A_150 : memref<1x4096xi32, #tpu.memory_space<vmem>> -> memref<4096xi32, #tpu.memory_space<vmem>>
      %dma_wait3A_152 = arith.constant 0 : i32
      %dma_wait3A_153 = tpu.memref_slice %arg2[%add3A_129, %dma_wait3A_152] : memref<200x4096xi32, #tpu.memory_space<hbm>> -> memref<1x4096xi32, #tpu.memory_space<hbm>>
      %dma_wait3A_154 = tpu.memref_squeeze %dma_wait3A_153 : memref<1x4096xi32, #tpu.memory_space<hbm>> -> memref<4096xi32, #tpu.memory_space<hbm>>
      tpu.wait_dma2 semaphore(%arg10 : memref<!tpu.dma_semaphore, #tpu.memory_space<semaphore_mem>>) src(%dma_wait3A_154 : memref<4096xi32, #tpu.memory_space<hbm>>) dst(%dma_wait3A_151 : memref<4096xi32, #tpu.memory_space<vmem>>)
      %parallel_loop3A_155 = arith.constant 0 : i32
      %parallel_loop3A_156 = arith.constant 4096 : i32
      %parallel_loop3A_157 = arith.constant 16 : i32
      scf.for %parallel_loop3A_257 = %parallel_loop3A_155 to %parallel_loop3A_156 step %parallel_loop3A_157  : i32 {
        %parallel_loop3A_258 = arith.constant 1 : i32
        %parallel_loop3A_259 = arith.index_cast %parallel_loop3A_258 : i32 to index
        %parallel_loop3A_260 = arith.index_cast %parallel_loop3A_257 : i32 to index
        %parallel_loop3A_261 = tpu.vector_load %arg6[%parallel_loop3A_259, %parallel_loop3A_260] {strides = array<i32>} : memref<4x4096xi32, #tpu.memory_space<vmem>>, vector<16xi32>,
        %parallel_loop3A_262 = tpu.vector_load_idx %arg5[%parallel_loop3A_261] : memref<100000xf32, #tpu.memory_space<vmem>>[vector<16xi32>], vector<16xf32>,
        %parallel_loop3A_263 = arith.constant 1 : i32
        %parallel_loop3A_264 = arith.index_cast %parallel_loop3A_263 : i32 to index
        %parallel_loop3A_265 = arith.index_cast %parallel_loop3A_257 : i32 to index
        %parallel_loop3A_266 = tpu.vector_load %arg7[%parallel_loop3A_264, %parallel_loop3A_265] {strides = array<i32>} : memref<2x4096xf32, #tpu.memory_space<vmem>>, vector<16xf32>,
        tpu.vector_store %arg7[%parallel_loop3A_264, %parallel_loop3A_265], %parallel_loop3A_262 {strides = array<i32>} : memref<2x4096xf32, #tpu.memory_space<vmem>>, vector<16xf32>,
      } {sc.loop_unroll_factor = 8 : i64, sc.parallel_access}
      %dma_start3A_158 = arith.constant 1 : i32
      %dma_start3A_159 = arith.constant 0 : i32
      %dma_start3A_160 = tpu.memref_slice %arg7[%dma_start3A_158, %dma_start3A_159] : memref<2x4096xf32, #tpu.memory_space<vmem>> -> memref<1x4096xf32, #tpu.memory_space<vmem>>
      %dma_start3A_161 = tpu.memref_squeeze %dma_start3A_160 : memref<1x4096xf32, #tpu.memory_space<vmem>> -> memref<4096xf32, #tpu.memory_space<vmem>>
      %dma_start3A_162 = arith.constant 0 : i32
      %dma_start3A_163 = tpu.memref_slice %arg4[%add3A_129, %add3A, %dma_start3A_162] : memref<200x32x4096xf32, #tpu.memory_space<hbm>> -> memref<1x1x4096xf32, #tpu.memory_space<hbm>>
      %dma_start3A_164 = tpu.memref_squeeze %dma_start3A_163 : memref<1x1x4096xf32, #tpu.memory_space<hbm>> -> memref<4096xf32, #tpu.memory_space<hbm>>
      %dma_start3A_165 = arith.constant 0 : i32
      %dma_start3A_166 = tpu.memref_slice %arg4[%add3A_129, %add3A, %dma_start3A_165] : memref<200x32x4096xf32, #tpu.memory_space<hbm>> -> memref<1x1x4096xf32, #tpu.memory_space<hbm>>
      %dma_start3A_167 = tpu.memref_squeeze %dma_start3A_166 : memref<1x1x4096xf32, #tpu.memory_space<hbm>> -> memref<4096xf32, #tpu.memory_space<hbm>>
      %dma_start3A_168 = arith.constant 0 : i32
      %dma_start3A_169 = tpu.memref_slice %arg7[%dma_start3A_158, %dma_start3A_168] : memref<2x4096xf32, #tpu.memory_space<vmem>> -> memref<1x4096xf32, #tpu.memory_space<vmem>>
      %dma_start3A_170 = tpu.memref_squeeze %dma_start3A_169 : memref<1x4096xf32, #tpu.memory_space<vmem>> -> memref<4096xf32, #tpu.memory_space<vmem>>
      tpu.enqueue_dma source(%dma_start3A_170 : memref<4096xf32, #tpu.memory_space<vmem>>) target(%dma_start3A_167 : memref<4096xf32, #tpu.memory_space<hbm>>) target_semaphore(%arg14 : memref<!tpu.dma_semaphore, #tpu.memory_space<semaphore_mem>>)
      %add3A_171 = arith.constant 2 : i32
      %add3A_172 = arith.addi %add3A_89, %add3A_171 : i32
      %add3A_173 = arith.constant 3 : i32
      %add3A_174 = arith.addi %add3A_172, %add3A_173 : i32
      %lt3A_175 = arith.constant 200 : i32
      %lt3A_176 = arith.cmpi slt, %add3A_174, %lt3A_175 : i32
      %convert_element_type3A_177 = arith.extui %lt3A_176 : i1 to i32
      %cond3A_178 = arith.constant 0 : i32
      %cond3A_179 = arith.cmpi ne, %convert_element_type3A_177, %cond3A_178 : i32
      scf.if %cond3A_179 {
        %add3A_257 = arith.constant 3 : i32
        %add3A_258 = arith.addi %add3A_172, %add3A_257 : i32
        %dma_start3A_259 = arith.constant 1 : i32
        %dma_start3A_260 = arith.constant 0 : i32
        %dma_start3A_261 = tpu.memref_slice %arg6[%dma_start3A_259, %dma_start3A_260] : memref<4x4096xi32, #tpu.memory_space<vmem>> -> memref<1x4096xi32, #tpu.memory_space<vmem>>
        %dma_start3A_262 = tpu.memref_squeeze %dma_start3A_261 : memref<1x4096xi32, #tpu.memory_space<vmem>> -> memref<4096xi32, #tpu.memory_space<vmem>>
        %dma_start3A_263 = arith.constant 0 : i32
        %dma_start3A_264 = tpu.memref_slice %arg2[%add3A_258, %dma_start3A_263] : memref<200x4096xi32, #tpu.memory_space<hbm>> -> memref<1x4096xi32, #tpu.memory_space<hbm>>
        %dma_start3A_265 = tpu.memref_squeeze %dma_start3A_264 : memref<1x4096xi32, #tpu.memory_space<hbm>> -> memref<4096xi32, #tpu.memory_space<hbm>>
        %dma_start3A_266 = arith.constant 0 : i32
        %dma_start3A_267 = tpu.memref_slice %arg6[%dma_start3A_259, %dma_start3A_266] : memref<4x4096xi32, #tpu.memory_space<vmem>> -> memref<1x4096xi32, #tpu.memory_space<vmem>>
        %dma_start3A_268 = tpu.memref_squeeze %dma_start3A_267 : memref<1x4096xi32, #tpu.memory_space<vmem>> -> memref<4096xi32, #tpu.memory_space<vmem>>
        %dma_start3A_269 = arith.constant 0 : i32
        %dma_start3A_270 = tpu.memref_slice %arg2[%add3A_258, %dma_start3A_269] : memref<200x4096xi32, #tpu.memory_space<hbm>> -> memref<1x4096xi32, #tpu.memory_space<hbm>>
        %dma_start3A_271 = tpu.memref_squeeze %dma_start3A_270 : memref<1x4096xi32, #tpu.memory_space<hbm>> -> memref<4096xi32, #tpu.memory_space<hbm>>
        tpu.enqueue_dma source(%dma_start3A_271 : memref<4096xi32, #tpu.memory_space<hbm>>) target(%dma_start3A_268 : memref<4096xi32, #tpu.memory_space<vmem>>) target_semaphore(%arg10 : memref<!tpu.dma_semaphore, #tpu.memory_space<semaphore_mem>>)
      } else {
      }
      %ge3A_180 = arith.constant 2 : i32
      %ge3A_181 = arith.cmpi sge, %add3A_172, %ge3A_180 : i32
      %convert_element_type3A_182 = arith.extui %ge3A_181 : i1 to i32
      %cond3A_183 = arith.constant 0 : i32
      %cond3A_184 = arith.cmpi ne, %convert_element_type3A_182, %cond3A_183 : i32
      scf.if %cond3A_184 {
        %sub3A = arith.constant 2 : i32
        %sub3A_257 = arith.subi %add3A_172, %sub3A : i32
        %dma_wait3A_258 = arith.constant 0 : i32
        %dma_wait3A_259 = arith.constant 0 : i32
        %dma_wait3A_260 = tpu.memref_slice %arg7[%dma_wait3A_258, %dma_wait3A_259] : memref<2x4096xf32, #tpu.memory_space<vmem>> -> memref<1x4096xf32, #tpu.memory_space<vmem>>
        %dma_wait3A_261 = tpu.memref_squeeze %dma_wait3A_260 : memref<1x4096xf32, #tpu.memory_space<vmem>> -> memref<4096xf32, #tpu.memory_space<vmem>>
        %dma_wait3A_262 = arith.constant 0 : i32
        %dma_wait3A_263 = tpu.memref_slice %arg4[%sub3A_257, %add3A, %dma_wait3A_262] : memref<200x32x4096xf32, #tpu.memory_space<hbm>> -> memref<1x1x4096xf32, #tpu.memory_space<hbm>>
        %dma_wait3A_264 = tpu.memref_squeeze %dma_wait3A_263 : memref<1x1x4096xf32, #tpu.memory_space<hbm>> -> memref<4096xf32, #tpu.memory_space<hbm>>
        %dma_wait3A_265 = arith.constant 0 : i32
        %dma_wait3A_266 = tpu.memref_slice %arg4[%sub3A_257, %add3A, %dma_wait3A_265] : memref<200x32x4096xf32, #tpu.memory_space<hbm>> -> memref<1x1x4096xf32, #tpu.memory_space<hbm>>
        %dma_wait3A_267 = tpu.memref_squeeze %dma_wait3A_266 : memref<1x1x4096xf32, #tpu.memory_space<hbm>> -> memref<4096xf32, #tpu.memory_space<hbm>>
        %dma_wait3A_268 = arith.constant 0 : i32
        %dma_wait3A_269 = tpu.memref_slice %arg7[%dma_wait3A_258, %dma_wait3A_268] : memref<2x4096xf32, #tpu.memory_space<vmem>> -> memref<1x4096xf32, #tpu.memory_space<vmem>>
        %dma_wait3A_270 = tpu.memref_squeeze %dma_wait3A_269 : memref<1x4096xf32, #tpu.memory_space<vmem>> -> memref<4096xf32, #tpu.memory_space<vmem>>
        tpu.wait_dma2 semaphore(%arg13 : memref<!tpu.dma_semaphore, #tpu.memory_space<semaphore_mem>>) src(%dma_wait3A_270 : memref<4096xf32, #tpu.memory_space<vmem>>) dst(%dma_wait3A_267 : memref<4096xf32, #tpu.memory_space<hbm>>)
      } else {
      }
      %dma_wait3A_185 = arith.constant 2 : i32
      %dma_wait3A_186 = arith.constant 0 : i32
      %dma_wait3A_187 = tpu.memref_slice %arg6[%dma_wait3A_185, %dma_wait3A_186] : memref<4x4096xi32, #tpu.memory_space<vmem>> -> memref<1x4096xi32, #tpu.memory_space<vmem>>
      %dma_wait3A_188 = tpu.memref_squeeze %dma_wait3A_187 : memref<1x4096xi32, #tpu.memory_space<vmem>> -> memref<4096xi32, #tpu.memory_space<vmem>>
      %dma_wait3A_189 = arith.constant 0 : i32
      %dma_wait3A_190 = tpu.memref_slice %arg2[%add3A_172, %dma_wait3A_189] : memref<200x4096xi32, #tpu.memory_space<hbm>> -> memref<1x4096xi32, #tpu.memory_space<hbm>>
      %dma_wait3A_191 = tpu.memref_squeeze %dma_wait3A_190 : memref<1x4096xi32, #tpu.memory_space<hbm>> -> memref<4096xi32, #tpu.memory_space<hbm>>
      %dma_wait3A_192 = arith.constant 0 : i32
      %dma_wait3A_193 = tpu.memref_slice %arg6[%dma_wait3A_185, %dma_wait3A_192] : memref<4x4096xi32, #tpu.memory_space<vmem>> -> memref<1x4096xi32, #tpu.memory_space<vmem>>
      %dma_wait3A_194 = tpu.memref_squeeze %dma_wait3A_193 : memref<1x4096xi32, #tpu.memory_space<vmem>> -> memref<4096xi32, #tpu.memory_space<vmem>>
      %dma_wait3A_195 = arith.constant 0 : i32
      %dma_wait3A_196 = tpu.memref_slice %arg2[%add3A_172, %dma_wait3A_195] : memref<200x4096xi32, #tpu.memory_space<hbm>> -> memref<1x4096xi32, #tpu.memory_space<hbm>>
      %dma_wait3A_197 = tpu.memref_squeeze %dma_wait3A_196 : memref<1x4096xi32, #tpu.memory_space<hbm>> -> memref<4096xi32, #tpu.memory_space<hbm>>
      tpu.wait_dma2 semaphore(%arg11 : memref<!tpu.dma_semaphore, #tpu.memory_space<semaphore_mem>>) src(%dma_wait3A_197 : memref<4096xi32, #tpu.memory_space<hbm>>) dst(%dma_wait3A_194 : memref<4096xi32, #tpu.memory_space<vmem>>)
      %parallel_loop3A_198 = arith.constant 0 : i32
      %parallel_loop3A_199 = arith.constant 4096 : i32
      %parallel_loop3A_200 = arith.constant 16 : i32
      scf.for %parallel_loop3A_257 = %parallel_loop3A_198 to %parallel_loop3A_199 step %parallel_loop3A_200  : i32 {
        %parallel_loop3A_258 = arith.constant 2 : i32
        %parallel_loop3A_259 = arith.index_cast %parallel_loop3A_258 : i32 to index
        %parallel_loop3A_260 = arith.index_cast %parallel_loop3A_257 : i32 to index
        %parallel_loop3A_261 = tpu.vector_load %arg6[%parallel_loop3A_259, %parallel_loop3A_260] {strides = array<i32>} : memref<4x4096xi32, #tpu.memory_space<vmem>>, vector<16xi32>,
        %parallel_loop3A_262 = tpu.vector_load_idx %arg5[%parallel_loop3A_261] : memref<100000xf32, #tpu.memory_space<vmem>>[vector<16xi32>], vector<16xf32>,
        %parallel_loop3A_263 = arith.constant 0 : i32
        %parallel_loop3A_264 = arith.index_cast %parallel_loop3A_263 : i32 to index
        %parallel_loop3A_265 = arith.index_cast %parallel_loop3A_257 : i32 to index
        %parallel_loop3A_266 = tpu.vector_load %arg7[%parallel_loop3A_264, %parallel_loop3A_265] {strides = array<i32>} : memref<2x4096xf32, #tpu.memory_space<vmem>>, vector<16xf32>,
        tpu.vector_store %arg7[%parallel_loop3A_264, %parallel_loop3A_265], %parallel_loop3A_262 {strides = array<i32>} : memref<2x4096xf32, #tpu.memory_space<vmem>>, vector<16xf32>,
      } {sc.loop_unroll_factor = 8 : i64, sc.parallel_access}
      %dma_start3A_201 = arith.constant 0 : i32
      %dma_start3A_202 = arith.constant 0 : i32
      %dma_start3A_203 = tpu.memref_slice %arg7[%dma_start3A_201, %dma_start3A_202] : memref<2x4096xf32, #tpu.memory_space<vmem>> -> memref<1x4096xf32, #tpu.memory_space<vmem>>
      %dma_start3A_204 = tpu.memref_squeeze %dma_start3A_203 : memref<1x4096xf32, #tpu.memory_space<vmem>> -> memref<4096xf32, #tpu.memory_space<vmem>>
      %dma_start3A_205 = arith.constant 0 : i32
      %dma_start3A_206 = tpu.memref_slice %arg4[%add3A_172, %add3A, %dma_start3A_205] : memref<200x32x4096xf32, #tpu.memory_space<hbm>> -> memref<1x1x4096xf32, #tpu.memory_space<hbm>>
      %dma_start3A_207 = tpu.memref_squeeze %dma_start3A_206 : memref<1x1x4096xf32, #tpu.memory_space<hbm>> -> memref<4096xf32, #tpu.memory_space<hbm>>
      %dma_start3A_208 = arith.constant 0 : i32
      %dma_start3A_209 = tpu.memref_slice %arg4[%add3A_172, %add3A, %dma_start3A_208] : memref<200x32x4096xf32, #tpu.memory_space<hbm>> -> memref<1x1x4096xf32, #tpu.memory_space<hbm>>
      %dma_start3A_210 = tpu.memref_squeeze %dma_start3A_209 : memref<1x1x4096xf32, #tpu.memory_space<hbm>> -> memref<4096xf32, #tpu.memory_space<hbm>>
      %dma_start3A_211 = arith.constant 0 : i32
      %dma_start3A_212 = tpu.memref_slice %arg7[%dma_start3A_201, %dma_start3A_211] : memref<2x4096xf32, #tpu.memory_space<vmem>> -> memref<1x4096xf32, #tpu.memory_space<vmem>>
      %dma_start3A_213 = tpu.memref_squeeze %dma_start3A_212 : memref<1x4096xf32, #tpu.memory_space<vmem>> -> memref<4096xf32, #tpu.memory_space<vmem>>
      tpu.enqueue_dma source(%dma_start3A_213 : memref<4096xf32, #tpu.memory_space<vmem>>) target(%dma_start3A_210 : memref<4096xf32, #tpu.memory_space<hbm>>) target_semaphore(%arg13 : memref<!tpu.dma_semaphore, #tpu.memory_space<semaphore_mem>>)
      %add3A_214 = arith.constant 3 : i32
      %add3A_215 = arith.addi %add3A_89, %add3A_214 : i32
      %add3A_216 = arith.constant 3 : i32
      %add3A_217 = arith.addi %add3A_215, %add3A_216 : i32
      %lt3A_218 = arith.constant 200 : i32
      %lt3A_219 = arith.cmpi slt, %add3A_217, %lt3A_218 : i32
      %convert_element_type3A_220 = arith.extui %lt3A_219 : i1 to i32
      %cond3A_221 = arith.constant 0 : i32
      %cond3A_222 = arith.cmpi ne, %convert_element_type3A_220, %cond3A_221 : i32
      scf.if %cond3A_222 {
        %add3A_257 = arith.constant 3 : i32
        %add3A_258 = arith.addi %add3A_215, %add3A_257 : i32
        %dma_start3A_259 = arith.constant 2 : i32
        %dma_start3A_260 = arith.constant 0 : i32
        %dma_start3A_261 = tpu.memref_slice %arg6[%dma_start3A_259, %dma_start3A_260] : memref<4x4096xi32, #tpu.memory_space<vmem>> -> memref<1x4096xi32, #tpu.memory_space<vmem>>
        %dma_start3A_262 = tpu.memref_squeeze %dma_start3A_261 : memref<1x4096xi32, #tpu.memory_space<vmem>> -> memref<4096xi32, #tpu.memory_space<vmem>>
        %dma_start3A_263 = arith.constant 0 : i32
        %dma_start3A_264 = tpu.memref_slice %arg2[%add3A_258, %dma_start3A_263] : memref<200x4096xi32, #tpu.memory_space<hbm>> -> memref<1x4096xi32, #tpu.memory_space<hbm>>
        %dma_start3A_265 = tpu.memref_squeeze %dma_start3A_264 : memref<1x4096xi32, #tpu.memory_space<hbm>> -> memref<4096xi32, #tpu.memory_space<hbm>>
        %dma_start3A_266 = arith.constant 0 : i32
        %dma_start3A_267 = tpu.memref_slice %arg6[%dma_start3A_259, %dma_start3A_266] : memref<4x4096xi32, #tpu.memory_space<vmem>> -> memref<1x4096xi32, #tpu.memory_space<vmem>>
        %dma_start3A_268 = tpu.memref_squeeze %dma_start3A_267 : memref<1x4096xi32, #tpu.memory_space<vmem>> -> memref<4096xi32, #tpu.memory_space<vmem>>
        %dma_start3A_269 = arith.constant 0 : i32
        %dma_start3A_270 = tpu.memref_slice %arg2[%add3A_258, %dma_start3A_269] : memref<200x4096xi32, #tpu.memory_space<hbm>> -> memref<1x4096xi32, #tpu.memory_space<hbm>>
        %dma_start3A_271 = tpu.memref_squeeze %dma_start3A_270 : memref<1x4096xi32, #tpu.memory_space<hbm>> -> memref<4096xi32, #tpu.memory_space<hbm>>
        tpu.enqueue_dma source(%dma_start3A_271 : memref<4096xi32, #tpu.memory_space<hbm>>) target(%dma_start3A_268 : memref<4096xi32, #tpu.memory_space<vmem>>) target_semaphore(%arg11 : memref<!tpu.dma_semaphore, #tpu.memory_space<semaphore_mem>>)
      } else {
      }
      %ge3A_223 = arith.constant 2 : i32
      %ge3A_224 = arith.cmpi sge, %add3A_215, %ge3A_223 : i32
      %convert_element_type3A_225 = arith.extui %ge3A_224 : i1 to i32
      %cond3A_226 = arith.constant 0 : i32
      %cond3A_227 = arith.cmpi ne, %convert_element_type3A_225, %cond3A_226 : i32
      scf.if %cond3A_227 {
        %sub3A = arith.constant 2 : i32
        %sub3A_257 = arith.subi %add3A_215, %sub3A : i32
        %dma_wait3A_258 = arith.constant 1 : i32
        %dma_wait3A_259 = arith.constant 0 : i32
        %dma_wait3A_260 = tpu.memref_slice %arg7[%dma_wait3A_258, %dma_wait3A_259] : memref<2x4096xf32, #tpu.memory_space<vmem>> -> memref<1x4096xf32, #tpu.memory_space<vmem>>
        %dma_wait3A_261 = tpu.memref_squeeze %dma_wait3A_260 : memref<1x4096xf32, #tpu.memory_space<vmem>> -> memref<4096xf32, #tpu.memory_space<vmem>>
        %dma_wait3A_262 = arith.constant 0 : i32
        %dma_wait3A_263 = tpu.memref_slice %arg4[%sub3A_257, %add3A, %dma_wait3A_262] : memref<200x32x4096xf32, #tpu.memory_space<hbm>> -> memref<1x1x4096xf32, #tpu.memory_space<hbm>>
        %dma_wait3A_264 = tpu.memref_squeeze %dma_wait3A_263 : memref<1x1x4096xf32, #tpu.memory_space<hbm>> -> memref<4096xf32, #tpu.memory_space<hbm>>
        %dma_wait3A_265 = arith.constant 0 : i32
        %dma_wait3A_266 = tpu.memref_slice %arg4[%sub3A_257, %add3A, %dma_wait3A_265] : memref<200x32x4096xf32, #tpu.memory_space<hbm>> -> memref<1x1x4096xf32, #tpu.memory_space<hbm>>
        %dma_wait3A_267 = tpu.memref_squeeze %dma_wait3A_266 : memref<1x1x4096xf32, #tpu.memory_space<hbm>> -> memref<4096xf32, #tpu.memory_space<hbm>>
        %dma_wait3A_268 = arith.constant 0 : i32
        %dma_wait3A_269 = tpu.memref_slice %arg7[%dma_wait3A_258, %dma_wait3A_268] : memref<2x4096xf32, #tpu.memory_space<vmem>> -> memref<1x4096xf32, #tpu.memory_space<vmem>>
        %dma_wait3A_270 = tpu.memref_squeeze %dma_wait3A_269 : memref<1x4096xf32, #tpu.memory_space<vmem>> -> memref<4096xf32, #tpu.memory_space<vmem>>
        tpu.wait_dma2 semaphore(%arg14 : memref<!tpu.dma_semaphore, #tpu.memory_space<semaphore_mem>>) src(%dma_wait3A_270 : memref<4096xf32, #tpu.memory_space<vmem>>) dst(%dma_wait3A_267 : memref<4096xf32, #tpu.memory_space<hbm>>)
      } else {
      }
      %dma_wait3A_228 = arith.constant 3 : i32
      %dma_wait3A_229 = arith.constant 0 : i32
      %dma_wait3A_230 = tpu.memref_slice %arg6[%dma_wait3A_228, %dma_wait3A_229] : memref<4x4096xi32, #tpu.memory_space<vmem>> -> memref<1x4096xi32, #tpu.memory_space<vmem>>
      %dma_wait3A_231 = tpu.memref_squeeze %dma_wait3A_230 : memref<1x4096xi32, #tpu.memory_space<vmem>> -> memref<4096xi32, #tpu.memory_space<vmem>>
      %dma_wait3A_232 = arith.constant 0 : i32
      %dma_wait3A_233 = tpu.memref_slice %arg2[%add3A_215, %dma_wait3A_232] : memref<200x4096xi32, #tpu.memory_space<hbm>> -> memref<1x4096xi32, #tpu.memory_space<hbm>>
      %dma_wait3A_234 = tpu.memref_squeeze %dma_wait3A_233 : memref<1x4096xi32, #tpu.memory_space<hbm>> -> memref<4096xi32, #tpu.memory_space<hbm>>
      %dma_wait3A_235 = arith.constant 0 : i32
      %dma_wait3A_236 = tpu.memref_slice %arg6[%dma_wait3A_228, %dma_wait3A_235] : memref<4x4096xi32, #tpu.memory_space<vmem>> -> memref<1x4096xi32, #tpu.memory_space<vmem>>
      %dma_wait3A_237 = tpu.memref_squeeze %dma_wait3A_236 : memref<1x4096xi32, #tpu.memory_space<vmem>> -> memref<4096xi32, #tpu.memory_space<vmem>>
      %dma_wait3A_238 = arith.constant 0 : i32
      %dma_wait3A_239 = tpu.memref_slice %arg2[%add3A_215, %dma_wait3A_238] : memref<200x4096xi32, #tpu.memory_space<hbm>> -> memref<1x4096xi32, #tpu.memory_space<hbm>>
      %dma_wait3A_240 = tpu.memref_squeeze %dma_wait3A_239 : memref<1x4096xi32, #tpu.memory_space<hbm>> -> memref<4096xi32, #tpu.memory_space<hbm>>
      tpu.wait_dma2 semaphore(%arg12 : memref<!tpu.dma_semaphore, #tpu.memory_space<semaphore_mem>>) src(%dma_wait3A_240 : memref<4096xi32, #tpu.memory_space<hbm>>) dst(%dma_wait3A_237 : memref<4096xi32, #tpu.memory_space<vmem>>)
      %parallel_loop3A_241 = arith.constant 0 : i32
      %parallel_loop3A_242 = arith.constant 4096 : i32
      %parallel_loop3A_243 = arith.constant 16 : i32
      scf.for %parallel_loop3A_257 = %parallel_loop3A_241 to %parallel_loop3A_242 step %parallel_loop3A_243  : i32 {
        %parallel_loop3A_258 = arith.constant 3 : i32
        %parallel_loop3A_259 = arith.index_cast %parallel_loop3A_258 : i32 to index
        %parallel_loop3A_260 = arith.index_cast %parallel_loop3A_257 : i32 to index
        %parallel_loop3A_261 = tpu.vector_load %arg6[%parallel_loop3A_259, %parallel_loop3A_260] {strides = array<i32>} : memref<4x4096xi32, #tpu.memory_space<vmem>>, vector<16xi32>,
        %parallel_loop3A_262 = tpu.vector_load_idx %arg5[%parallel_loop3A_261] : memref<100000xf32, #tpu.memory_space<vmem>>[vector<16xi32>], vector<16xf32>,
        %parallel_loop3A_263 = arith.constant 1 : i32
        %parallel_loop3A_264 = arith.index_cast %parallel_loop3A_263 : i32 to index
        %parallel_loop3A_265 = arith.index_cast %parallel_loop3A_257 : i32 to index
        %parallel_loop3A_266 = tpu.vector_load %arg7[%parallel_loop3A_264, %parallel_loop3A_265] {strides = array<i32>} : memref<2x4096xf32, #tpu.memory_space<vmem>>, vector<16xf32>,
        tpu.vector_store %arg7[%parallel_loop3A_264, %parallel_loop3A_265], %parallel_loop3A_262 {strides = array<i32>} : memref<2x4096xf32, #tpu.memory_space<vmem>>, vector<16xf32>,
      } {sc.loop_unroll_factor = 8 : i64, sc.parallel_access}
      %dma_start3A_244 = arith.constant 1 : i32
      %dma_start3A_245 = arith.constant 0 : i32
      %dma_start3A_246 = tpu.memref_slice %arg7[%dma_start3A_244, %dma_start3A_245] : memref<2x4096xf32, #tpu.memory_space<vmem>> -> memref<1x4096xf32, #tpu.memory_space<vmem>>
      %dma_start3A_247 = tpu.memref_squeeze %dma_start3A_246 : memref<1x4096xf32, #tpu.memory_space<vmem>> -> memref<4096xf32, #tpu.memory_space<vmem>>
      %dma_start3A_248 = arith.constant 0 : i32
      %dma_start3A_249 = tpu.memref_slice %arg4[%add3A_215, %add3A, %dma_start3A_248] : memref<200x32x4096xf32, #tpu.memory_space<hbm>> -> memref<1x1x4096xf32, #tpu.memory_space<hbm>>
      %dma_start3A_250 = tpu.memref_squeeze %dma_start3A_249 : memref<1x1x4096xf32, #tpu.memory_space<hbm>> -> memref<4096xf32, #tpu.memory_space<hbm>>
      %dma_start3A_251 = arith.constant 0 : i32
      %dma_start3A_252 = tpu.memref_slice %arg4[%add3A_215, %add3A, %dma_start3A_251] : memref<200x32x4096xf32, #tpu.memory_space<hbm>> -> memref<1x1x4096xf32, #tpu.memory_space<hbm>>
      %dma_start3A_253 = tpu.memref_squeeze %dma_start3A_252 : memref<1x1x4096xf32, #tpu.memory_space<hbm>> -> memref<4096xf32, #tpu.memory_space<hbm>>
      %dma_start3A_254 = arith.constant 0 : i32
      %dma_start3A_255 = tpu.memref_slice %arg7[%dma_start3A_244, %dma_start3A_254] : memref<2x4096xf32, #tpu.memory_space<vmem>> -> memref<1x4096xf32, #tpu.memory_space<vmem>>
      %dma_start3A_256 = tpu.memref_squeeze %dma_start3A_255 : memref<1x4096xf32, #tpu.memory_space<vmem>> -> memref<4096xf32, #tpu.memory_space<vmem>>
      tpu.enqueue_dma source(%dma_start3A_256 : memref<4096xf32, #tpu.memory_space<vmem>>) target(%dma_start3A_253 : memref<4096xf32, #tpu.memory_space<hbm>>) target_semaphore(%arg14 : memref<!tpu.dma_semaphore, #tpu.memory_space<semaphore_mem>>)
    }
    %scan3A_56 = arith.constant 50 : i32
    %dma_wait3A_57 = arith.constant 0 : i32
    %dma_wait3A_58 = arith.constant 198 : i32
    %dma_wait3A_59 = arith.constant 0 : i32
    %dma_wait3A_60 = tpu.memref_slice %arg7[%dma_wait3A_57, %dma_wait3A_59] : memref<2x4096xf32, #tpu.memory_space<vmem>> -> memref<1x4096xf32, #tpu.memory_space<vmem>>
    %dma_wait3A_61 = tpu.memref_squeeze %dma_wait3A_60 : memref<1x4096xf32, #tpu.memory_space<vmem>> -> memref<4096xf32, #tpu.memory_space<vmem>>
    %dma_wait3A_62 = arith.constant 0 : i32
    %dma_wait3A_63 = tpu.memref_slice %arg4[%dma_wait3A_58, %add3A, %dma_wait3A_62] : memref<200x32x4096xf32, #tpu.memory_space<hbm>> -> memref<1x1x4096xf32, #tpu.memory_space<hbm>>
    %dma_wait3A_64 = tpu.memref_squeeze %dma_wait3A_63 : memref<1x1x4096xf32, #tpu.memory_space<hbm>> -> memref<4096xf32, #tpu.memory_space<hbm>>
    %dma_wait3A_65 = arith.constant 0 : i32
    %dma_wait3A_66 = tpu.memref_slice %arg4[%dma_wait3A_58, %add3A, %dma_wait3A_65] : memref<200x32x4096xf32, #tpu.memory_space<hbm>> -> memref<1x1x4096xf32, #tpu.memory_space<hbm>>
    %dma_wait3A_67 = tpu.memref_squeeze %dma_wait3A_66 : memref<1x1x4096xf32, #tpu.memory_space<hbm>> -> memref<4096xf32, #tpu.memory_space<hbm>>
    %dma_wait3A_68 = arith.constant 0 : i32
    %dma_wait3A_69 = tpu.memref_slice %arg7[%dma_wait3A_57, %dma_wait3A_68] : memref<2x4096xf32, #tpu.memory_space<vmem>> -> memref<1x4096xf32, #tpu.memory_space<vmem>>
    %dma_wait3A_70 = tpu.memref_squeeze %dma_wait3A_69 : memref<1x4096xf32, #tpu.memory_space<vmem>> -> memref<4096xf32, #tpu.memory_space<vmem>>
    tpu.wait_dma2 semaphore(%arg13 : memref<!tpu.dma_semaphore, #tpu.memory_space<semaphore_mem>>) src(%dma_wait3A_70 : memref<4096xf32, #tpu.memory_space<vmem>>) dst(%dma_wait3A_67 : memref<4096xf32, #tpu.memory_space<hbm>>)
    %dma_wait3A_71 = arith.constant 1 : i32
    %dma_wait3A_72 = arith.constant 199 : i32
    %dma_wait3A_73 = arith.constant 0 : i32
    %dma_wait3A_74 = tpu.memref_slice %arg7[%dma_wait3A_71, %dma_wait3A_73] : memref<2x4096xf32, #tpu.memory_space<vmem>> -> memref<1x4096xf32, #tpu.memory_space<vmem>>
    %dma_wait3A_75 = tpu.memref_squeeze %dma_wait3A_74 : memref<1x4096xf32, #tpu.memory_space<vmem>> -> memref<4096xf32, #tpu.memory_space<vmem>>
    %dma_wait3A_76 = arith.constant 0 : i32
    %dma_wait3A_77 = tpu.memref_slice %arg4[%dma_wait3A_72, %add3A, %dma_wait3A_76] : memref<200x32x4096xf32, #tpu.memory_space<hbm>> -> memref<1x1x4096xf32, #tpu.memory_space<hbm>>
    %dma_wait3A_78 = tpu.memref_squeeze %dma_wait3A_77 : memref<1x1x4096xf32, #tpu.memory_space<hbm>> -> memref<4096xf32, #tpu.memory_space<hbm>>
    %dma_wait3A_79 = arith.constant 0 : i32
    %dma_wait3A_80 = tpu.memref_slice %arg4[%dma_wait3A_72, %add3A, %dma_wait3A_79] : memref<200x32x4096xf32, #tpu.memory_space<hbm>> -> memref<1x1x4096xf32, #tpu.memory_space<hbm>>
    %dma_wait3A_81 = tpu.memref_squeeze %dma_wait3A_80 : memref<1x1x4096xf32, #tpu.memory_space<hbm>> -> memref<4096xf32, #tpu.memory_space<hbm>>
    %dma_wait3A_82 = arith.constant 0 : i32
    %dma_wait3A_83 = tpu.memref_slice %arg7[%dma_wait3A_71, %dma_wait3A_82] : memref<2x4096xf32, #tpu.memory_space<vmem>> -> memref<1x4096xf32, #tpu.memory_space<vmem>>
    %dma_wait3A_84 = tpu.memref_squeeze %dma_wait3A_83 : memref<1x4096xf32, #tpu.memory_space<vmem>> -> memref<4096xf32, #tpu.memory_space<vmem>>
    tpu.wait_dma2 semaphore(%arg14 : memref<!tpu.dma_semaphore, #tpu.memory_space<semaphore_mem>>) src(%dma_wait3A_84 : memref<4096xf32, #tpu.memory_space<vmem>>) dst(%dma_wait3A_81 : memref<4096xf32, #tpu.memory_space<hbm>>)
    return
  }
}

</mosaic_0001>

<sc_bundles>
// kernel: kernel.3.cloned.1.call-start
scs
__scs_entry_jumppad:
0x0: {  	(pc) =	sbr.rel $0x88, $3  }
0x1: {  	(tag) =	ssettag $0x0;
	lr =	simm.s32 $0x1  }
0x2: {  	[smem:$0x3F9F] =	sst lr;
	_ =	strace $0xD0000000  }
0x3: {  	_ = 	snop  }
0x4: {  	_ = 	snop  }
0x5: {  	_ = 	snop  }
0x6: {  	_ = 	snop  }
0x7: {  	_ = 	snop  }
__scs_overlays_trampoline_lowered:
0x8: {  	[smem:$0x3FAE] =	sst s0  }
0x9: {  	[smem:$0x3FAF] =	sst s1  }
0xa: {  	[smem:$0x3FB0] =	sst s2  }
0xb: {  	[smem:$0x3FB1] =	sst s3  }
0xc: {  	[smem:$0x3FB2] =	sst s4  }
0xd: {  	[smem:$0x3FB3] =	sst s5  }
0xe: {  	[smem:$0x3FB4] =	sst s6  }
0xf: {  	[smem:$0x3FB5] =	sst s7  }
0x10: {  	[smem:$0x3FB6] =	sst s8  }
0x11: {  	[smem:$0x3FB7] =	sst s9;
	s0 =	simm.s32 @!p0 $0x0  }
0x12: {  	s1 =	sld [smem:$0x3F9D];
	s0 =	simm.s32 @p0 $0x1  }
0x13: {  	[smem:$0x3FB8] =	sst s0;
	s0 =	simm.s32 @!p1 $0x0  }
0x14: {  	s2 =	sld [smem:$0x3F9C];
	s0 =	simm.s32 @p1 $0x1  }
0x15: {  	[smem:$0x3FB9] =	sst s0;
	s0 =	simm.s32 @!p2 $0x0  }
0x16: {  	s3 =	sld [smem:$0x3FDB];
	s0 =	simm.s32 @p2 $0x1  }
0x17: {  	s4 =	simm.s32 $0x1BF5;
	[smem:$0x3FBB] =	sst s0  }
0x18: {  	s0 =	sld [smem:$0x3F9E];
	_ =	swait.ge [sflag:s4], $0x0  }
0x19: {  	s7 =	sld [smem:$0x3F9F]  }
0x1a: {  	s8 =	sadd.s32 $0xFFFFE003, lr  }
0x1b: {  	s9 =	sadd.s32 $0xFFFFFEF7, lr;
	s5 =	simm.s32 $0xFFFFFFFF;
	p2 =	slt.u32 s8, $0xFFFFF086  }
0x1c: {  	p1 =	slt.u32 s9, $0xF7A;
	s5 =	simm.s32 @!p2 $0x0  }
0x1d: {  	s5 =	simm.s32 @p1 $0x1;
	p0 =	seq.s32 s7, s2  }
0x1e: {  	s7 =	smul.u32 @!p0 $0xF7A, s2;
	p2 =	seq.s32 @!p0 s5, $0x0  }
0x1f: {  	s9 =	smul.u32 $0xF7A, s1;
	s8 =	simm.s32 @!p0 $0x1BF5;
	p2 =	por !p2, p0  }
0x20: {  	[sflag:s8] =	ssyncset.s32 @!p0 $0xFFFFF086;
	s6 =	sadd.s32 @!p0 s3, s7;
	s7 =	simm.s32 @!p0 $0x108  }
0x21: {  	s3 =	sadd.s32 s3, s9;
	s6 =	sadd.s32 @!p0 $0x88, s6;
	s7 =	simm.s32 @p2 $0x1082  }
0x22: {  	[simem:s7], [sflag:s8] =	dma.local @!p0 [hbm:s6], $0xF7A  }
0x23: {  	s9 =	sor.u32 $0xD0000000, s2;
	s6 =	simm.s32 $0x108;
	_ =	swait.ge @!p0 [sflag:s8], $0x0  }
0x24: {  	s3 =	sadd.s32 $0x88, s3;
	s6 =	simm.s32 @!p1 $0x1082;
	[sflag:s4] =	ssyncset.s32 $0xFFFFF086  }
0x25: {  	[simem:s6], [sflag:s4] =	dma.local [hbm:s3], $0xF7A  }
0x26: {  	[smem:$0x3F9F] =	sst s1;
	(tag) =	ssettag s2;
	_ =	strace s9  }
0x27: {  	s1 =	sld [smem:$0x3FAF]  }
0x28: {  	s2 =	sld [smem:$0x3FB0]  }
0x29: {  	s4 =	sld [smem:$0x3FB2]  }
0x2a: {  	p0 =	seq.s32 s5, $0x0;
	s5 =	sld [smem:$0x3FB3]  }
0x2b: {  	s6 =	sld [smem:$0x3FB4]  }
0x2c: {  	s7 =	sld [smem:$0x3FB5]  }
0x2d: {  	s3 =	simm.s32 $0x108;
	s8 =	sld [smem:$0x3FB6]  }
0x2e: {  	s3 =	simm.s32 @!p0 $0x1082;
	s9 =	sld [smem:$0x3FB7]  }
0x2f: {  	lr =	sadd.s32 s0, s3;
	s0 =	sld [smem:$0x3FAE]  }
0x30: {  	s3 =	sld [smem:$0x3FB1]  }
0x31: {  	[smem:$0x3FBA] =	sst s10  }
0x32: {  	s10 =	sld [smem:$0x3FB8];
	_ =	sdelay $0x3  }
0x33: {  	p0 =	seq.s32 s10, $0x1;
	s10 =	sld [smem:$0x3FBA];
	_ =	sdelay $0x3  }
0x34: {  	[smem:$0x3FBA] =	sst s10  }
0x35: {  	s10 =	sld [smem:$0x3FB9];
	_ =	sdelay $0x3  }
0x36: {  	p1 =	seq.s32 s10, $0x1;
	s10 =	sld [smem:$0x3FBA];
	_ =	sdelay $0x3  }
0x37: {  	[smem:$0x3FBA] =	sst s10  }
0x38: {  	s10 =	sld [smem:$0x3FBB]  }
0x39: {  	_ = 	snop;
	(pc) =	sbr.ind lr, $3  }
0x3a: {  	_ = 	snop  }
0x3b: {  	_ = 	snop  }
0x3c: {  	p2 =	seq.s32 s10, $0x1;
	s10 =	sld [smem:$0x3FBA]  }
0x3d: {  	_ =	shalt  }
0x3e: {  	_ =	shalt  }
0x3f: {  	_ =	shalt  }
0x40: {  	_ =	shalt  }
0x41: {  	_ =	shalt  }
0x42: {  	_ =	shalt  }
0x43: {  	_ =	shalt  }
0x44: {  	_ =	shalt  }
0x45: {  	_ =	shalt  }
0x46: {  	_ =	shalt  }
0x47: {  	_ =	shalt  }
0x48: {  	_ =	shalt  }
0x49: {  	_ =	shalt  }
0x4a: {  	_ =	shalt  }
0x4b: {  	_ =	shalt  }
0x4c: {  	_ =	shalt  }
0x4d: {  	_ =	shalt  }
0x4e: {  	_ =	shalt  }
0x4f: {  	_ =	shalt  }
0x50: {  	_ =	shalt  }
0x51: {  	_ =	shalt  }
0x52: {  	_ =	shalt  }
0x53: {  	_ =	shalt  }
0x54: {  	_ =	shalt  }
0x55: {  	_ =	shalt  }
0x56: {  	_ =	shalt  }
0x57: {  	_ =	shalt  }
0x58: {  	_ =	shalt  }
0x59: {  	_ =	shalt  }
0x5a: {  	_ =	shalt  }
0x5b: {  	_ =	shalt  }
0x5c: {  	_ =	shalt  }
0x5d: {  	_ =	shalt  }
0x5e: {  	_ =	shalt  }
0x5f: {  	_ =	shalt  }
0x60: {  	_ =	shalt  }
0x61: {  	_ =	shalt  }
0x62: {  	_ =	shalt  }
0x63: {  	_ =	shalt  }
0x64: {  	_ =	shalt  }
0x65: {  	_ =	shalt  }
0x66: {  	_ =	shalt  }
0x67: {  	_ =	shalt  }
0x68: {  	_ =	shalt  }
0x69: {  	_ =	shalt  }
0x6a: {  	_ =	shalt  }
0x6b: {  	_ =	shalt  }
0x6c: {  	_ =	shalt  }
0x6d: {  	_ =	shalt  }
0x6e: {  	_ =	shalt  }
0x6f: {  	_ =	shalt  }
0x70: {  	_ =	shalt  }
0x71: {  	_ =	shalt  }
0x72: {  	_ =	shalt  }
0x73: {  	_ =	shalt  }
0x74: {  	_ =	shalt  }
0x75: {  	_ =	shalt  }
0x76: {  	_ =	shalt  }
0x77: {  	_ =	shalt  }
0x78: {  	_ =	shalt  }
0x79: {  	_ =	shalt  }
0x7a: {  	_ =	shalt  }
0x7b: {  	_ =	shalt  }
0x7c: {  	_ =	shalt  }
0x7d: {  	_ =	shalt  }
0x7e: {  	_ =	shalt  }
0x7f: {  	_ =	shalt  }
0x80: {  	_ =	shalt  }
0x81: {  	_ =	shalt  }
0x82: {  	_ =	shalt  }
0x83: {  	_ =	shalt  }
0x84: {  	_ =	shalt  }
0x85: {  	_ =	shalt  }
0x86: {  	_ =	shalt  }
0x87: {  	_ =	shalt  }
.Lfunc_end0:
.L_simem_size_0:
called_computation_lowered:
.L_overlay_start_0:
0x88: {  	s2 =	sld [smem:$0x3FD9]  }
0x89: {  	s3 =	sld [smem:$0x3FFE];
	_ =	sdelay $0x1  }
0x8a: {  	s1 =	srdreg.scid  }
0x8b: {  	s0 =	sand.u32 $0x1, s1  }
0x8c: {  	s18 =	sshll.u32 s0, $0xA;
	s2 =	sadd.s32 s3, s2  }
0x8d: {  	s2 =	sadd.s32 s2, s18  }
0x8e: {  	[smem:$0x3FC6] =	sst s2  }
0x8f: {  	_ = 	snop  }
0x90: {  	s2 =	sld [smem:$0x3FC9]  }
0x91: {  	s19 =	sld [smem:$0x3FC8]  }
0x92: {  	s4 =	sld [smem:$0x3FD0];
	(tm) =	ssettm $0x1  }
0x93: {  	s5 =	sld [smem:$0x3FFB];
	_ =	sdelay $0x3  }
0x94: {  	_ =	strace s5  }
0x95: {  	s5 =	sld [smem:$0x3FFC];
	_ =	sdelay $0x3  }
0x96: {  	_ =	strace s5  }
0x97: {  	s5 =	sld [smem:$0x3FFD];
	_ =	sdelay $0x3  }
0x98: {  	_ =	strace s5  }
0x99: {  	_ =	strace $0x8FFFFFFF  }
0x9a: {  	s20 =	sld [smem:$0x3FDB];
	_ =	sdelay $0x1  }
0x9b: {  	s6 =	simm.s32 $_scs_section_size  }
0x9c: {  	s7 =	simm.s32 $_size__tile_overlayer_lowered;
	s8 =	simm.s32 $_tile_overlayer_lowered  }
0x9d: {  	s23 =	simm.s32 $0x1BFF;
	s22 =	sshll.u32 s8, $0x1;
	s5 =	sadd.s32 s6, s20  }
0x9e: {  	s9 =	simm.s32 $0x0;
	s21 =	sshll.u32 s7, $0x1;
	s7 =	sadd.s32 s22, s5  }
0x9f: {  	[timem:s9], [sflag:s23] =	dma.local [hbm:s7], s21  }
0xa0: {  	_ =	swait.ge [sflag:s23], s21  }
0xa1: {  	s6 =	ssub.s32 $0x0, s21;
	[sflag:s23] =	ssyncset.done $0x0  }
0xa2: {  	[sflag:s23] =	ssyncadd.s32 s6;
	_ =	sdelay $0x1  }
0xa3: {  	s24 =	simm.s32 $0x1B8B  }
0xa4: {  	_ =	swait.ge [sflag:s24], $0x1  }
0xa5: {  	[sflag:s24] =	ssyncset.done $0x0  }
0xa6: {  	s25 =	simm.s32 $0x1B8E;
	[sflag:s24] =	ssyncadd.s32 $0xFFFFFFFF  }
0xa7: {  	s26 =	simm.s32 $execute0_lowered;
	[smem:$0x3FD2] =	sst s25  }
0xa8: {  	s6 =	sshll.u32 s26, $0x1;
	_ =	strace $0x80000046;
	[dreg:$0x1] =	wrdreg $0xFFFFFFFF  }
0xa9: {  	s28 =	simm.s32 $_size_execute0_lowered;
	s5 =	sadd.s32 s5, s6;
	[dreg:$0x0] =	wrdreg $0x0  }
0xaa: {  	s6 =	sshll.u32 s28, $0x1;
	[dreg:$0x2] =	wrdreg s5  }
0xab: {  	[dreg:$0x3] =	wrdreg s6  }
0xac: {  	[dreg:$0x4] =	wrdreg $0xC0  }
0xad: {  	_ =	task [dreg:s9], $0x5FFFF  }
0xae: {  	[dreg:$0x1] =	wrdreg $0xFFFFFFFF  }
0xaf: {  	[dreg:$0x0] =	wrdreg $0x60  }
0xb0: {  	[dreg:$0x2] =	wrdreg s2  }
0xb1: {  	[dreg:$0x3] =	wrdreg s19  }
0xb2: {  	[dreg:$0x4] =	wrdreg s4  }
0xb3: {  	[dreg:$0x5] =	wrdreg $0x9  }
0xb4: {  	_ =	task.clear_ibuf [dreg:s9], $0x6FFFF;
	_ =	strace $0x90000046  }
0xb5: {  	s29 =	simm.s32 $0x9;
	_ =	strace $0x80000048  }
0xb6: {  	_ =	swait.ge [sflag:s29], $0x1  }
0xb7: {  	[sflag:s29] =	ssyncadd.s32 $0xFFFFFFFF  }
0xb8: {  	_ =	strace $0x90000048  }
0xb9: {  	_ =	sfence  }
0xba: {  	s30 =	sld [smem:$0x0];
	_ =	sdelay $0x2  }
0xbb: {  	s31 =	sshll.u32 s1, $0xD;
	s1 =	sshrl.u32 s1, $0x2  }
0xbc: {  	s3 =	sand.u32 $0x4000, s31;
	s1 =	sadd.s32 s1, s30  }
0xbd: {  	s0 =	sor.u32 s3, s0;
	s1 =	sshll.u32 s1, $0x11  }
0xbe: {  	s0 =	sor.u32 s1, s0  }
0xbf: {  	s0 =	sadd.s32 $0x8F2B, s0  }
0xc0: {  	[sflag:s0] =	ssyncadd.remote.s32 $0x1  }
0xc1: {  	_ =	sfence.sel $0xFFFF  }
0xc2: {  	[dreg:$0x0] =	wrdreg $0xFFFFFFFF;
	(pc) =	sbr.abs _section_cstart, $3  }
0xc3: {  	[dreg:$0x1] =	wrdreg $0xFFFFFFFF  }
0xc4: {  	_ =	task.clear_ibuf [dreg:s9], $0x2FFFF;
	_ =	strace $0x9FFFFFFF  }
0xc5: {  	(tm) =	ssettm $0x7FFFFFFF  }
tec
execute0_lowered:
.L_overlay_start_1:
0x0: {  	(tag) =	ssettag $0x1  }
0x1: {  	s1 =	rddreg [dreg:$0x0]  }
0x2: {  	s5 =	rddreg [dreg:$0x1]  }
0x3: {  	s3 =	rddreg [dreg:$0x2]  }
0x4: {  	s0 =	rddreg [dreg:$0x3]  }
0x5: {  	s4 =	srdreg.scid;
	s2 =	stileid.u32  }
0x6: {  	s13 =	simm.s32 $0x400;
	s14 =	simm.s32 $0x1;
	s15 =	simm.s32 $0x2  }
0x7: {  	s16 =	simm.s32 $0x7;
	s17 =	simm.s32 $0x3;
	s18 =	simm.s32 $0x6  }
0x8: {  	s19 =	simm.s32 $0x4;
	s20 =	simm.s32 $0x5;
	s21 =	simm.s32 $0x0  }
0x9: {  	s6 =	sand.u32 $0x1, s4;
	s8 =	sshrl.u32 s2, $0x2;
	s28 =	sshll.u32 s2, $0x8  }
0xa: {  	s4 =	simm.s32 $0x0;
	s7 =	sshll.u32 s6, $0x7;
	s9 =	sand.u32 $0x300, s28  }
0xb: {  	s10 =	smul.u32 $0xC3800, s8;
	s6 =	ssub.s32 $0x2, s6;
	[smem:$0x7FF] =	sst s4  }
0xc: {  	s12 =	sshll.u32 s8, $0xF;
	s8 =	sadd.s32 $0x4000, s3;
	s11 =	sor.u32 s7, s9  }
0xd: {  	s29 =	sshrl.u32 s6, $0x1;
	_ =	strace $0x80000047;
	s7 =	sadd.s32 $0x20, s1  }
0xe: {  	s9 =	sor.u32 s10, s11;
	s30 =	ssub.s32 s6, s29;
	s6 =	sadd.s32 $0x10, s1  }
0xf: {  	s11 =	sor.u32 s11, s12;
	s12 =	simm.s32 $0x80;
	s31 =	sshrl.u32 s9, $0x3  }
0x10: {  	s9 =	sadd.s32 $0x8000, s3;
	s10 =	smax.u32 s30, $0x1;
	s5 =	sadd.s32 s5, s31  }
.LBB2_1:
0x11: {  	[tilespmem:s4], [sflag:$0x1] =	stream.strided.gather [hbm4b:s5+s12], $0x18700, s13, s12, $0x38;
	[tilespmem:$0x1E700] =	vst v63  }
0x12: {  	s22 =	simm.s32 $0x18700  }
0x13: {  	s23 =	simm.s32 $0x80;
	s25 =	sadd.s32 $0x0, s1;
	s24 =	simm.s32 $0x18900  }
.LBB2_2:
0x14: {  	[tilespmem:s22], [sflag:$0x2] =	stream.linear.gather [hbm4b:s25+s4], $0x80, $0x38;
	[tilespmem:$0x1E700] =	vst v63  }
0x15: {  	s25 =	smov.u32 s23;
	s22 =	smov.u32 s24;
	p0 =	sne.s32 s23, $0xF80  }
.Ltmp0:
0x16: {  	s23 =	sadd.s32 $0x80, s23;
	(pc) =	sbr.rel @p0 .LBB2_2-.Ltmp0, $2  }
0x17: {  	_ =	sdelay $0x2  }
0x18: {  	s24 =	sadd.s32 $0x200, s24;
	s25 =	sadd.s32 s25, s1  }
0x19: {  	[tilespmem:s22], [sflag:$0x2] =	stream.linear.gather [hbm4b:s25+s4], $0x80, $0x38;
	[tilespmem:$0x1E700] =	vst v63  }
0x1a: {  	s22 =	simm.s32 $0x18780  }
0x1b: {  	s23 =	simm.s32 $0x80;
	s25 =	sadd.s32 $0x0, s6;
	s24 =	simm.s32 $0x18980  }
.LBB2_4:
0x1c: {  	[tilespmem:s22], [sflag:$0x3] =	stream.linear.gather [hbm4b:s25+s4], $0x80, $0x38;
	[tilespmem:$0x1E700] =	vst v63  }
0x1d: {  	s25 =	smov.u32 s23;
	s22 =	smov.u32 s24;
	p0 =	sne.s32 s23, $0xF80  }
.Ltmp1:
0x1e: {  	s23 =	sadd.s32 $0x80, s23;
	(pc) =	sbr.rel @p0 .LBB2_4-.Ltmp1, $2  }
0x1f: {  	_ =	sdelay $0x2  }
0x20: {  	s24 =	sadd.s32 $0x200, s24;
	s25 =	sadd.s32 s25, s6  }
0x21: {  	[tilespmem:s22], [sflag:$0x3] =	stream.linear.gather [hbm4b:s25+s4], $0x80, $0x38;
	[tilespmem:$0x1E700] =	vst v63  }
0x22: {  	s22 =	simm.s32 $0x18800  }
0x23: {  	s23 =	simm.s32 $0x80;
	s25 =	sadd.s32 $0x0, s7;
	s24 =	simm.s32 $0x18A00  }
.LBB2_6:
0x24: {  	[tilespmem:s22], [sflag:$0x4] =	stream.linear.gather [hbm4b:s25+s4], $0x80, $0x38;
	[tilespmem:$0x1E700] =	vst v63  }
0x25: {  	s25 =	smov.u32 s23;
	s22 =	smov.u32 s24;
	p0 =	sne.s32 s23, $0xF80  }
.Ltmp2:
0x26: {  	s23 =	sadd.s32 $0x80, s23;
	(pc) =	sbr.rel @p0 .LBB2_6-.Ltmp2, $2  }
0x27: {  	_ =	sdelay $0x2  }
0x28: {  	s24 =	sadd.s32 $0x200, s24;
	s25 =	sadd.s32 s25, s7  }
0x29: {  	[tilespmem:s22], [sflag:$0x4] =	stream.linear.gather [hbm4b:s25+s4], $0x80, $0x38;
	[tilespmem:$0x1E700] =	vst v63  }
0x2a: {  	_ =	swait.ge [sflag:s14], $0x18700  }
0x2b: {  	[sflag:s14] =	ssyncset.done $0x0  }
0x2c: {  	s22 =	simm.s32 $0x0;
	[sflag:s14] =	ssyncadd.s32 $0xFFFE7900  }
.LBB2_8:
0x2d: {  	s23 =	sshllo.u32 s22, $0x2;
	s24 =	sshll.u32 s22, $0xB  }
0x2e: {  	s24 =	sand.u32 $0x1F000, s24;
	s25 =	sshll.u32 s23, $0x4  }
0x2f: {  	s25 =	sand.u32 $0x70, s25;
	s26 =	sadd.s32 s1, s24  }
0x30: {  	s28 =	simm.s32 $0x80;
	s29 =	simm.s32 $0x18A80;
	s25 =	sadd.s32 s25, s26  }
0x31: {  	s24 =	sshll.u32 s22, $0x2;
	s26 =	simm.s32 $0x18880;
	s30 =	sadd.s32 $0x0, s25  }
.LBB2_9:
0x32: {  	[tilespmem:s26], [sflag:$0x5] =	stream.linear.gather [hbm4b:s30+s4], $0x80, $0x38;
	[tilespmem:$0x1E700] =	vst v63  }
0x33: {  	s30 =	smov.u32 s28;
	s26 =	smov.u32 s29;
	p0 =	sne.s32 s28, $0xF80  }
.Ltmp3:
0x34: {  	s28 =	sadd.s32 $0x80, s28;
	(pc) =	sbr.rel @p0 .LBB2_9-.Ltmp3, $2  }
0x35: {  	_ =	sdelay $0x2  }
0x36: {  	s29 =	sadd.s32 $0x200, s29;
	s30 =	sadd.s32 s30, s25  }
0x37: {  	[tilespmem:s26], [sflag:$0x5] =	stream.linear.gather [hbm4b:s30+s4], $0x80, $0x38;
	[tilespmem:$0x1E700] =	vst v63  }
0x38: {  	p1 =	seq.s32 s22, $0x0  }
0x39: {  	s25 =	simm.s32 @!p1 $0x6  }
0x3a: {  	_ =	swait.ge @!p1 [sflag:s25], $0x1000  }
0x3b: {  	[sflag:s25] =	ssyncset.done @!p1 $0x0  }
0x3c: {  	[sflag:s25] =	ssyncadd.s32 @!p1 $0xFFFFF000  }
0x3d: {  	_ =	swait.ge [sflag:s15], $0x1000  }
0x3e: {  	[sflag:s15] =	ssyncset.done $0x0  }
0x3f: {  	s31 =	simm.s32 $0x18740;
	[sflag:s15] =	ssyncadd.s32 $0xFFFFF000  }
0x40: {  	v0 =	vld [tilespmem:s31+$0x30]  }
0x41: {  	v1 =	vld [tilespmem:s31+$0xFFFFFFD0]  }
0x42: {  	v2 =	vld [tilespmem:s31+$0xFFFFFFE0]  }
0x43: {  	v3 =	vld [tilespmem:s31+$0xFFFFFFF0]  }
0x44: {  	v6 =	vld [tilespmem:s31+$0x0]  }
0x45: {  	v7 =	vld [tilespmem:s31+$0x10]  }
0x46: {  	v8 =	vld [tilespmem:s31+$0x20]  }
0x47: {  	v9 =	vld [tilespmem:s31+$0xFFFFFFC0]  }
0x48: {  	v10 =	vld.idx.msk [tilespmem:v0+s4+$0x0], $0xffff  }
0x49: {  	v11 =	vld.idx.msk [tilespmem:v1+s4+$0x0], $0xffff  }
0x4a: {  	v5 =	vld.idx.msk [tilespmem:v2+s4+$0x0], $0xffff  }
0x4b: {  	v4 =	vld.idx.msk [tilespmem:v3+s4+$0x0], $0xffff  }
0x4c: {  	v3 =	vld.idx.msk [tilespmem:v6+s4+$0x0], $0xffff  }
0x4d: {  	s26 =	simm.s32 $0x1C740;
	v2 =	vld.idx.msk [tilespmem:v7+s4+$0x0], $0xffff  }
0x4e: {  	v0 =	vld.idx.msk [tilespmem:v8+s4+$0x0], $0xffff;
	[tilespmem:s26+$0x30] =	vst v10  }
0x4f: {  	s28 =	simm.s32 $0x18940;
	s25 =	simm.s32 $0x0;
	v1 =	vld.idx.msk [tilespmem:v9+s4+$0x0], $0xffff;
	[tilespmem:s26+$0xFFFFFFD0] =	vst v11  }
.LBB2_11:
0x50: {  	v6 =	vld [tilespmem:s28+$0x30];
	s25 =	sadd.s32 $0x80, s25;
	[tilespmem:s26+$0xFFFFFFE0] =	vst v5  }
0x51: {  	v5 =	vld [tilespmem:s28+$0xFFFFFFD0];
	p0 =	slt.u32 s25, $0xF80;
	[tilespmem:s26+$0xFFFFFFF0] =	vst v4  }
0x52: {  	v4 =	vld [tilespmem:s28+$0xFFFFFFE0];
	[tilespmem:s26+$0x0] =	vst v3  }
0x53: {  	v3 =	vld [tilespmem:s28+$0xFFFFFFF0];
	[tilespmem:s26+$0x10] =	vst v2  }
0x54: {  	v2 =	vld [tilespmem:s28+$0x0];
	[tilespmem:s26+$0x20] =	vst v0  }
0x55: {  	v0 =	vld [tilespmem:s28+$0x10];
	[tilespmem:s26+$0xFFFFFFC0] =	vst v1  }
0x56: {  	v1 =	vld [tilespmem:s28+$0x20]  }
0x57: {  	v7 =	vld [tilespmem:s28+$0xFFFFFFC0]  }
0x58: {  	v6 =	vld.idx.msk [tilespmem:v6+s4+$0x0], $0xffff  }
0x59: {  	v8 =	vld.idx.msk [tilespmem:v5+s4+$0x0], $0xffff  }
0x5a: {  	v5 =	vld.idx.msk [tilespmem:v4+s4+$0x0], $0xffff  }
.Ltmp4:
0x5b: {  	v4 =	vld.idx.msk [tilespmem:v3+s4+$0x0], $0xffff;
	(pc) =	sbr.rel @p0 .LBB2_11-.Ltmp4, $4  }
0x5c: {  	v3 =	vld.idx.msk [tilespmem:v2+s4+$0x0], $0xffff  }
0x5d: {  	s26 =	sadd.s32 $0x100, s26;
	v2 =	vld.idx.msk [tilespmem:v0+s4+$0x0], $0xffff  }
0x5e: {  	v0 =	vld.idx.msk [tilespmem:v1+s4+$0x0], $0xffff;
	[tilespmem:s26+$0x30] =	vst v6  }
0x5f: {  	s28 =	sadd.s32 $0x200, s28;
	v1 =	vld.idx.msk [tilespmem:v7+s4+$0x0], $0xffff;
	[tilespmem:s26+$0xFFFFFFD0] =	vst v8  }
0x60: {  	[tilespmem:s26+$0xFFFFFFE0] =	vst v5  }
0x61: {  	[tilespmem:s26+$0xFFFFFFF0] =	vst v4;
	s25 =	sshll.u32 s22, $0x13  }
0x62: {  	[tilespmem:s26+$0x0] =	vst v3;
	s25 =	sor.u32 s11, s25  }
0x63: {  	[tilespmem:s26+$0x10] =	vst v2;
	s25 =	sshrl.u32 s25, $0x3  }
0x64: {  	s29 =	simm.s32 $0x1C700;
	[tilespmem:s26+$0x20] =	vst v0;
	s28 =	sadd.s32 s3, s25  }
0x65: {  	s30 =	simm.s32 $0x1C800;
	[tilespmem:s26+$0xFFFFFFC0] =	vst v1;
	s26 =	simm.s32 $0x80;
	s31 =	sadd.s32 $0x0, s28  }
.LBB2_13:
0x66: {  	[hbm4b:s31+s4] =	stream.linear.scatter [tilespmem:s29], [sflag:$0x6], $0x80, $0x38;
	[tilespmem:$0x1E700] =	vst v63  }
0x67: {  	s31 =	smov.u32 s26;
	s29 =	smov.u32 s30;
	p0 =	sne.s32 s26, $0xF80  }
.Ltmp5:
0x68: {  	s26 =	sadd.s32 $0x80, s26;
	(pc) =	sbr.rel @p0 .LBB2_13-.Ltmp5, $2  }
0x69: {  	_ =	sdelay $0x2  }
0x6a: {  	s30 =	sadd.s32 $0x100, s30;
	s31 =	sadd.s32 s31, s28  }
0x6b: {  	p0 =	seq.s32 s22, $0x31  }
.Ltmp6:
0x6c: {  	_ = 	snop;
	(pc) =	sbr.rel @p0 .LBB2_18-.Ltmp6, $2  }
0x6d: {  	_ =	sdelay $0x2  }
0x6e: {  	[hbm4b:s31+s4] =	stream.linear.scatter [tilespmem:s29], [sflag:$0x6], $0x80, $0x38;
	[tilespmem:$0x1E700] =	vst v63  }
0x6f: {  	s26 =	sadd.s32 $0x4, s24  }
0x70: {  	s28 =	sshll.u32 s26, $0x4  }
0x71: {  	s26 =	sshll.u32 s26, $0x9;
	s28 =	sand.u32 $0x40, s28  }
0x72: {  	s26 =	sand.u32 $0x3F000, s26;
	s28 =	sadd.s32 s1, s28  }
0x73: {  	s29 =	simm.s32 $0x80;
	s26 =	sadd.s32 s26, s28  }
0x74: {  	s30 =	simm.s32 $0x18900;
	s28 =	simm.s32 $0x18700;
	s31 =	sadd.s32 $0x0, s26  }
.LBB2_16:
0x75: {  	[tilespmem:s28], [sflag:$0x2] =	stream.linear.gather [hbm4b:s31+s4], $0x80, $0x38;
	[tilespmem:$0x1E700] =	vst v63  }
0x76: {  	s31 =	smov.u32 s29;
	s28 =	smov.u32 s30;
	p2 =	sne.s32 s29, $0xF80  }
.Ltmp7:
0x77: {  	s29 =	sadd.s32 $0x80, s29;
	(pc) =	sbr.rel @p2 .LBB2_16-.Ltmp7, $2  }
0x78: {  	_ =	sdelay $0x2  }
0x79: {  	s30 =	sadd.s32 $0x200, s30;
	s31 =	sadd.s32 s31, s26  }
.Ltmp8:
0x7a: {  	(pc) =	sbr.rel @p1 .LBB2_19-.Ltmp8, $2  }
0x7b: {  	_ =	sdelay $0x2  }
0x7c: {  	[tilespmem:s28], [sflag:$0x2] =	stream.linear.gather [hbm4b:s31+s4], $0x80, $0x38;
	[tilespmem:$0x1E700] =	vst v63  }
.LBB2_18:
0x7d: {  	_ =	swait.ge [sflag:s16], $0x1000  }
0x7e: {  	[sflag:s16] =	ssyncset.done $0x0  }
0x7f: {  	[sflag:s16] =	ssyncadd.s32 $0xFFFFF000  }
.LBB2_19:
0x80: {  	_ =	swait.ge [sflag:s17], $0x1000  }
0x81: {  	[sflag:s17] =	ssyncset.done $0x0  }
0x82: {  	s26 =	simm.s32 $0x187F0;
	[sflag:s17] =	ssyncadd.s32 $0xFFFFF000  }
0x83: {  	v0 =	vld [tilespmem:s26+$0x0]  }
0x84: {  	v1 =	vld [tilespmem:s26+$0xFFFFFFA0]  }
0x85: {  	v2 =	vld [tilespmem:s26+$0xFFFFFFB0]  }
0x86: {  	v3 =	vld [tilespmem:s26+$0xFFFFFFC0]  }
0x87: {  	v6 =	vld [tilespmem:s26+$0xFFFFFFD0]  }
0x88: {  	v7 =	vld [tilespmem:s26+$0xFFFFFFE0]  }
0x89: {  	v8 =	vld [tilespmem:s26+$0xFFFFFFF0]  }
0x8a: {  	v9 =	vld [tilespmem:s26+$0xFFFFFF90]  }
0x8b: {  	v10 =	vld.idx.msk [tilespmem:v0+s4+$0x0], $0xffff  }
0x8c: {  	v11 =	vld.idx.msk [tilespmem:v1+s4+$0x0], $0xffff  }
0x8d: {  	v5 =	vld.idx.msk [tilespmem:v2+s4+$0x0], $0xffff  }
0x8e: {  	v4 =	vld.idx.msk [tilespmem:v3+s4+$0x0], $0xffff  }
0x8f: {  	v0 =	vld.idx.msk [tilespmem:v6+s4+$0x0], $0xffff  }
0x90: {  	s26 =	simm.s32 $0x1C7F0;
	v1 =	vld.idx.msk [tilespmem:v7+s4+$0x0], $0xffff  }
0x91: {  	v2 =	vld.idx.msk [tilespmem:v8+s4+$0x0], $0xffff;
	[tilespmem:s26+$0x0] =	vst v10  }
0x92: {  	s28 =	simm.s32 $0x0;
	s29 =	simm.s32 $0x189F0;
	v3 =	vld.idx.msk [tilespmem:v9+s4+$0x0], $0xffff;
	[tilespmem:s26+$0xFFFFFFA0] =	vst v11  }
.LBB2_20:
0x93: {  	v6 =	vld [tilespmem:s29+$0x0];
	s28 =	sadd.s32 $0x80, s28;
	[tilespmem:s26+$0xFFFFFFB0] =	vst v5  }
0x94: {  	v5 =	vld [tilespmem:s29+$0xFFFFFFA0];
	p1 =	slt.u32 s28, $0xF80;
	[tilespmem:s26+$0xFFFFFFC0] =	vst v4  }
0x95: {  	v4 =	vld [tilespmem:s29+$0xFFFFFFB0];
	[tilespmem:s26+$0xFFFFFFD0] =	vst v0  }
0x96: {  	v0 =	vld [tilespmem:s29+$0xFFFFFFC0];
	[tilespmem:s26+$0xFFFFFFE0] =	vst v1  }
0x97: {  	v1 =	vld [tilespmem:s29+$0xFFFFFFD0];
	[tilespmem:s26+$0xFFFFFFF0] =	vst v2  }
0x98: {  	v2 =	vld [tilespmem:s29+$0xFFFFFFE0];
	[tilespmem:s26+$0xFFFFFF90] =	vst v3  }
0x99: {  	v3 =	vld [tilespmem:s29+$0xFFFFFFF0]  }
0x9a: {  	v7 =	vld [tilespmem:s29+$0xFFFFFF90]  }
0x9b: {  	v6 =	vld.idx.msk [tilespmem:v6+s4+$0x0], $0xffff  }
0x9c: {  	v8 =	vld.idx.msk [tilespmem:v5+s4+$0x0], $0xffff  }
0x9d: {  	v5 =	vld.idx.msk [tilespmem:v4+s4+$0x0], $0xffff  }
.Ltmp9:
0x9e: {  	v4 =	vld.idx.msk [tilespmem:v0+s4+$0x0], $0xffff;
	(pc) =	sbr.rel @p1 .LBB2_20-.Ltmp9, $4  }
0x9f: {  	v0 =	vld.idx.msk [tilespmem:v1+s4+$0x0], $0xffff  }
0xa0: {  	s26 =	sadd.s32 $0x100, s26;
	v1 =	vld.idx.msk [tilespmem:v2+s4+$0x0], $0xffff  }
0xa1: {  	v2 =	vld.idx.msk [tilespmem:v3+s4+$0x0], $0xffff;
	[tilespmem:s26+$0x0] =	vst v6  }
0xa2: {  	s29 =	sadd.s32 $0x200, s29;
	v3 =	vld.idx.msk [tilespmem:v7+s4+$0x0], $0xffff;
	[tilespmem:s26+$0xFFFFFFA0] =	vst v8  }
0xa3: {  	[tilespmem:s26+$0xFFFFFFB0] =	vst v5  }
0xa4: {  	[tilespmem:s26+$0xFFFFFFC0] =	vst v4  }
0xa5: {  	[tilespmem:s26+$0xFFFFFFD0] =	vst v0  }
0xa6: {  	[tilespmem:s26+$0xFFFFFFE0] =	vst v1  }
0xa7: {  	s28 =	sadd.s32 s25, s8;
	s29 =	simm.s32 $0x1C780;
	[tilespmem:s26+$0xFFFFFFF0] =	vst v2  }
0xa8: {  	s30 =	simm.s32 $0x1C880;
	s31 =	sadd.s32 $0x0, s28;
	[tilespmem:s26+$0xFFFFFF90] =	vst v3;
	s26 =	simm.s32 $0x80  }
.LBB2_22:
0xa9: {  	[hbm4b:s31+s4] =	stream.linear.scatter [tilespmem:s29], [sflag:$0x7], $0x80, $0x38;
	[tilespmem:$0x1E700] =	vst v63  }
0xaa: {  	s31 =	smov.u32 s26;
	s29 =	smov.u32 s30;
	p1 =	sne.s32 s26, $0xF80  }
.Ltmp10:
0xab: {  	s26 =	sadd.s32 $0x80, s26;
	(pc) =	sbr.rel @p1 .LBB2_22-.Ltmp10, $2  }
0xac: {  	_ =	sdelay $0x2  }
0xad: {  	s30 =	sadd.s32 $0x100, s30;
	s31 =	sadd.s32 s31, s28  }
.Ltmp11:
0xae: {  	(pc) =	sbr.rel @p0 .LBB2_27-.Ltmp11, $2  }
0xaf: {  	_ =	sdelay $0x2  }
0xb0: {  	[hbm4b:s31+s4] =	stream.linear.scatter [tilespmem:s29], [sflag:$0x7], $0x80, $0x38;
	[tilespmem:$0x1E700] =	vst v63  }
0xb1: {  	s26 =	sadd.s32 $0x5, s24  }
0xb2: {  	s28 =	sshll.u32 s26, $0x4  }
0xb3: {  	s26 =	sshll.u32 s26, $0x9;
	s28 =	sand.u32 $0x50, s28  }
0xb4: {  	s26 =	sand.u32 $0x3F000, s26;
	s28 =	sadd.s32 s1, s28  }
0xb5: {  	s29 =	simm.s32 $0x80;
	s26 =	sadd.s32 s26, s28  }
0xb6: {  	s30 =	simm.s32 $0x18980;
	s28 =	simm.s32 $0x18780;
	s31 =	sadd.s32 $0x0, s26  }
.LBB2_25:
0xb7: {  	[tilespmem:s28], [sflag:$0x3] =	stream.linear.gather [hbm4b:s31+s4], $0x80, $0x38;
	[tilespmem:$0x1E700] =	vst v63  }
0xb8: {  	s31 =	smov.u32 s29;
	s28 =	smov.u32 s30;
	p1 =	sne.s32 s29, $0xF80  }
.Ltmp12:
0xb9: {  	s29 =	sadd.s32 $0x80, s29;
	(pc) =	sbr.rel @p1 .LBB2_25-.Ltmp12, $2  }
0xba: {  	_ =	sdelay $0x2  }
0xbb: {  	s30 =	sadd.s32 $0x200, s30;
	s31 =	sadd.s32 s31, s26  }
0xbc: {  	[tilespmem:s28], [sflag:$0x3] =	stream.linear.gather [hbm4b:s31+s4], $0x80, $0x38;
	[tilespmem:$0x1E700] =	vst v63  }
.LBB2_27:
0xbd: {  	_ =	swait.ge [sflag:s18], $0x1000  }
0xbe: {  	[sflag:s18] =	ssyncset.done $0x0  }
0xbf: {  	[sflag:s18] =	ssyncadd.s32 $0xFFFFF000  }
0xc0: {  	_ =	swait.ge [sflag:s19], $0x1000  }
0xc1: {  	[sflag:s19] =	ssyncset.done $0x0  }
0xc2: {  	s26 =	simm.s32 $0x18870;
	[sflag:s19] =	ssyncadd.s32 $0xFFFFF000  }
0xc3: {  	v0 =	vld [tilespmem:s26+$0x0]  }
0xc4: {  	v1 =	vld [tilespmem:s26+$0xFFFFFFA0]  }
0xc5: {  	v2 =	vld [tilespmem:s26+$0xFFFFFFB0]  }
0xc6: {  	v3 =	vld [tilespmem:s26+$0xFFFFFFC0]  }
0xc7: {  	v6 =	vld [tilespmem:s26+$0xFFFFFFD0]  }
0xc8: {  	v7 =	vld [tilespmem:s26+$0xFFFFFFE0]  }
0xc9: {  	v8 =	vld [tilespmem:s26+$0xFFFFFFF0]  }
0xca: {  	v9 =	vld [tilespmem:s26+$0xFFFFFF90]  }
0xcb: {  	v10 =	vld.idx.msk [tilespmem:v0+s4+$0x0], $0xffff  }
0xcc: {  	v11 =	vld.idx.msk [tilespmem:v1+s4+$0x0], $0xffff  }
0xcd: {  	v5 =	vld.idx.msk [tilespmem:v2+s4+$0x0], $0xffff  }
0xce: {  	v4 =	vld.idx.msk [tilespmem:v3+s4+$0x0], $0xffff  }
0xcf: {  	v0 =	vld.idx.msk [tilespmem:v6+s4+$0x0], $0xffff  }
0xd0: {  	s26 =	simm.s32 $0x1C740;
	v1 =	vld.idx.msk [tilespmem:v7+s4+$0x0], $0xffff  }
0xd1: {  	v2 =	vld.idx.msk [tilespmem:v8+s4+$0x0], $0xffff;
	[tilespmem:s26+$0x30] =	vst v10  }
0xd2: {  	s28 =	simm.s32 $0x0;
	s29 =	simm.s32 $0x18A70;
	v3 =	vld.idx.msk [tilespmem:v9+s4+$0x0], $0xffff;
	[tilespmem:s26+$0xFFFFFFD0] =	vst v11  }
.LBB2_28:
0xd3: {  	v6 =	vld [tilespmem:s29+$0x0];
	s28 =	sadd.s32 $0x80, s28;
	[tilespmem:s26+$0xFFFFFFE0] =	vst v5  }
0xd4: {  	v5 =	vld [tilespmem:s29+$0xFFFFFFA0];
	p1 =	slt.u32 s28, $0xF80;
	[tilespmem:s26+$0xFFFFFFF0] =	vst v4  }
0xd5: {  	v4 =	vld [tilespmem:s29+$0xFFFFFFB0];
	[tilespmem:s26+$0x0] =	vst v0  }
0xd6: {  	v0 =	vld [tilespmem:s29+$0xFFFFFFC0];
	[tilespmem:s26+$0x10] =	vst v1  }
0xd7: {  	v1 =	vld [tilespmem:s29+$0xFFFFFFD0];
	[tilespmem:s26+$0x20] =	vst v2  }
0xd8: {  	v2 =	vld [tilespmem:s29+$0xFFFFFFE0];
	[tilespmem:s26+$0xFFFFFFC0] =	vst v3  }
0xd9: {  	v3 =	vld [tilespmem:s29+$0xFFFFFFF0]  }
0xda: {  	v7 =	vld [tilespmem:s29+$0xFFFFFF90]  }
0xdb: {  	v6 =	vld.idx.msk [tilespmem:v6+s4+$0x0], $0xffff  }
0xdc: {  	v8 =	vld.idx.msk [tilespmem:v5+s4+$0x0], $0xffff  }
0xdd: {  	v5 =	vld.idx.msk [tilespmem:v4+s4+$0x0], $0xffff  }
.Ltmp13:
0xde: {  	v4 =	vld.idx.msk [tilespmem:v0+s4+$0x0], $0xffff;
	(pc) =	sbr.rel @p1 .LBB2_28-.Ltmp13, $4  }
0xdf: {  	v0 =	vld.idx.msk [tilespmem:v1+s4+$0x0], $0xffff  }
0xe0: {  	s26 =	sadd.s32 $0x100, s26;
	v1 =	vld.idx.msk [tilespmem:v2+s4+$0x0], $0xffff  }
0xe1: {  	v2 =	vld.idx.msk [tilespmem:v3+s4+$0x0], $0xffff;
	[tilespmem:s26+$0x30] =	vst v6  }
0xe2: {  	s29 =	sadd.s32 $0x200, s29;
	v3 =	vld.idx.msk [tilespmem:v7+s4+$0x0], $0xffff;
	[tilespmem:s26+$0xFFFFFFD0] =	vst v8  }
0xe3: {  	[tilespmem:s26+$0xFFFFFFE0] =	vst v5  }
0xe4: {  	[tilespmem:s26+$0xFFFFFFF0] =	vst v4  }
0xe5: {  	[tilespmem:s26+$0x0] =	vst v0  }
0xe6: {  	[tilespmem:s26+$0x10] =	vst v1  }
0xe7: {  	s25 =	sadd.s32 s25, s9;
	s28 =	simm.s32 $0x1C700;
	[tilespmem:s26+$0x20] =	vst v2  }
0xe8: {  	s29 =	simm.s32 $0x1C800;
	s30 =	sadd.s32 $0x0, s25;
	[tilespmem:s26+$0xFFFFFFC0] =	vst v3;
	s26 =	simm.s32 $0x80  }
.LBB2_30:
0xe9: {  	[hbm4b:s30+s4] =	stream.linear.scatter [tilespmem:s28], [sflag:$0x6], $0x80, $0x38;
	[tilespmem:$0x1E700] =	vst v63  }
0xea: {  	s30 =	smov.u32 s26;
	s28 =	smov.u32 s29;
	p1 =	sne.s32 s26, $0xF80  }
.Ltmp14:
0xeb: {  	s26 =	sadd.s32 $0x80, s26;
	(pc) =	sbr.rel @p1 .LBB2_30-.Ltmp14, $2  }
0xec: {  	_ =	sdelay $0x2  }
0xed: {  	s29 =	sadd.s32 $0x100, s29;
	s30 =	sadd.s32 s30, s25  }
.Ltmp15:
0xee: {  	(pc) =	sbr.rel @p0 .LBB2_35-.Ltmp15, $2  }
0xef: {  	_ =	sdelay $0x2  }
0xf0: {  	[hbm4b:s30+s4] =	stream.linear.scatter [tilespmem:s28], [sflag:$0x6], $0x80, $0x38;
	[tilespmem:$0x1E700] =	vst v63  }
0xf1: {  	s24 =	sadd.s32 $0x6, s24  }
0xf2: {  	s25 =	sshll.u32 s24, $0x4  }
0xf3: {  	s24 =	sshll.u32 s24, $0x9;
	s25 =	sand.u32 $0x60, s25  }
0xf4: {  	s24 =	sand.u32 $0x3F000, s24;
	s25 =	sadd.s32 s1, s25  }
0xf5: {  	s26 =	simm.s32 $0x80;
	s24 =	sadd.s32 s24, s25  }
0xf6: {  	s28 =	simm.s32 $0x18A00;
	s25 =	simm.s32 $0x18800;
	s29 =	sadd.s32 $0x0, s24  }
.LBB2_33:
0xf7: {  	[tilespmem:s25], [sflag:$0x4] =	stream.linear.gather [hbm4b:s29+s4], $0x80, $0x38;
	[tilespmem:$0x1E700] =	vst v63  }
0xf8: {  	s29 =	smov.u32 s26;
	s25 =	smov.u32 s28;
	p0 =	sne.s32 s26, $0xF80  }
.Ltmp16:
0xf9: {  	s26 =	sadd.s32 $0x80, s26;
	(pc) =	sbr.rel @p0 .LBB2_33-.Ltmp16, $2  }
0xfa: {  	_ =	sdelay $0x2  }
0xfb: {  	s28 =	sadd.s32 $0x200, s28;
	s29 =	sadd.s32 s29, s24  }
0xfc: {  	[tilespmem:s25], [sflag:$0x4] =	stream.linear.gather [hbm4b:s29+s4], $0x80, $0x38;
	[tilespmem:$0x1E700] =	vst v63  }
.LBB2_35:
0xfd: {  	_ =	swait.ge [sflag:s16], $0x1000  }
0xfe: {  	[sflag:s16] =	ssyncset.done $0x0  }
0xff: {  	[sflag:s16] =	ssyncadd.s32 $0xFFFFF000  }
0x100: {  	_ =	swait.ge [sflag:s20], $0x1000  }
0x101: {  	[sflag:s20] =	ssyncset.done $0x0  }
0x102: {  	s24 =	simm.s32 $0x188F0;
	[sflag:s20] =	ssyncadd.s32 $0xFFFFF000  }
0x103: {  	v0 =	vld [tilespmem:s24+$0x0]  }
0x104: {  	v1 =	vld [tilespmem:s24+$0xFFFFFFA0]  }
0x105: {  	v2 =	vld [tilespmem:s24+$0xFFFFFFB0]  }
0x106: {  	v3 =	vld [tilespmem:s24+$0xFFFFFFC0]  }
0x107: {  	v6 =	vld [tilespmem:s24+$0xFFFFFFD0]  }
0x108: {  	v7 =	vld [tilespmem:s24+$0xFFFFFFE0]  }
0x109: {  	v8 =	vld [tilespmem:s24+$0xFFFFFFF0]  }
0x10a: {  	v9 =	vld [tilespmem:s24+$0xFFFFFF90]  }
0x10b: {  	v10 =	vld.idx.msk [tilespmem:v0+s4+$0x0], $0xffff  }
0x10c: {  	v11 =	vld.idx.msk [tilespmem:v1+s4+$0x0], $0xffff  }
0x10d: {  	v5 =	vld.idx.msk [tilespmem:v2+s4+$0x0], $0xffff  }
0x10e: {  	v4 =	vld.idx.msk [tilespmem:v3+s4+$0x0], $0xffff  }
0x10f: {  	v3 =	vld.idx.msk [tilespmem:v6+s4+$0x0], $0xffff  }
0x110: {  	s24 =	simm.s32 $0x1C7F0;
	v2 =	vld.idx.msk [tilespmem:v7+s4+$0x0], $0xffff  }
0x111: {  	v0 =	vld.idx.msk [tilespmem:v8+s4+$0x0], $0xffff;
	[tilespmem:s24+$0x0] =	vst v10  }
0x112: {  	s25 =	simm.s32 $0x0;
	s26 =	simm.s32 $0x18AF0;
	v1 =	vld.idx.msk [tilespmem:v9+s4+$0x0], $0xffff;
	[tilespmem:s24+$0xFFFFFFA0] =	vst v11  }
.LBB2_36:
0x113: {  	v6 =	vld [tilespmem:s26+$0x0];
	s25 =	sadd.s32 $0x80, s25;
	[tilespmem:s24+$0xFFFFFFB0] =	vst v5  }
0x114: {  	v5 =	vld [tilespmem:s26+$0xFFFFFFA0];
	p0 =	slt.u32 s25, $0xF80;
	[tilespmem:s24+$0xFFFFFFC0] =	vst v4  }
0x115: {  	v4 =	vld [tilespmem:s26+$0xFFFFFFB0];
	[tilespmem:s24+$0xFFFFFFD0] =	vst v3  }
0x116: {  	v3 =	vld [tilespmem:s26+$0xFFFFFFC0];
	[tilespmem:s24+$0xFFFFFFE0] =	vst v2  }
0x117: {  	v2 =	vld [tilespmem:s26+$0xFFFFFFD0];
	[tilespmem:s24+$0xFFFFFFF0] =	vst v0  }
0x118: {  	v0 =	vld [tilespmem:s26+$0xFFFFFFE0];
	[tilespmem:s24+$0xFFFFFF90] =	vst v1  }
0x119: {  	v1 =	vld [tilespmem:s26+$0xFFFFFFF0]  }
0x11a: {  	v7 =	vld [tilespmem:s26+$0xFFFFFF90]  }
0x11b: {  	v6 =	vld.idx.msk [tilespmem:v6+s4+$0x0], $0xffff  }
0x11c: {  	v8 =	vld.idx.msk [tilespmem:v5+s4+$0x0], $0xffff  }
0x11d: {  	v5 =	vld.idx.msk [tilespmem:v4+s4+$0x0], $0xffff  }
.Ltmp17:
0x11e: {  	v4 =	vld.idx.msk [tilespmem:v3+s4+$0x0], $0xffff;
	(pc) =	sbr.rel @p0 .LBB2_36-.Ltmp17, $4  }
0x11f: {  	v3 =	vld.idx.msk [tilespmem:v2+s4+$0x0], $0xffff  }
0x120: {  	s24 =	sadd.s32 $0x100, s24;
	v2 =	vld.idx.msk [tilespmem:v0+s4+$0x0], $0xffff  }
0x121: {  	v0 =	vld.idx.msk [tilespmem:v1+s4+$0x0], $0xffff;
	[tilespmem:s24+$0x0] =	vst v6  }
0x122: {  	s26 =	sadd.s32 $0x200, s26;
	v1 =	vld.idx.msk [tilespmem:v7+s4+$0x0], $0xffff;
	[tilespmem:s24+$0xFFFFFFA0] =	vst v8  }
0x123: {  	[tilespmem:s24+$0xFFFFFFB0] =	vst v5  }
0x124: {  	[tilespmem:s24+$0xFFFFFFC0] =	vst v4;
	s23 =	sshll.u32 s23, $0x11  }
0x125: {  	[tilespmem:s24+$0xFFFFFFD0] =	vst v3;
	s23 =	sor.u32 s11, s23  }
0x126: {  	[tilespmem:s24+$0xFFFFFFE0] =	vst v2;
	s23 =	sshrl.u32 s23, $0x3  }
0x127: {  	s25 =	simm.s32 $0x1C780;
	[tilespmem:s24+$0xFFFFFFF0] =	vst v0;
	s23 =	sadd.s32 s3, s23  }
0x128: {  	s26 =	simm.s32 $0x1C880;
	[tilespmem:s24+$0xFFFFFF90] =	vst v1;
	s24 =	simm.s32 $0x80;
	s28 =	sadd.s32 $0x0, s23  }
.LBB2_38:
0x129: {  	[hbm4b:s28+s4] =	stream.linear.scatter [tilespmem:s25], [sflag:$0x7], $0x80, $0x38;
	[tilespmem:$0x1E700] =	vst v63  }
0x12a: {  	s28 =	smov.u32 s24;
	s25 =	smov.u32 s26;
	p0 =	sne.s32 s24, $0xF80  }
.Ltmp18:
0x12b: {  	s24 =	sadd.s32 $0x80, s24;
	(pc) =	sbr.rel @p0 .LBB2_38-.Ltmp18, $2  }
0x12c: {  	_ =	sdelay $0x2  }
0x12d: {  	s26 =	sadd.s32 $0x100, s26;
	s28 =	sadd.s32 s28, s23  }
0x12e: {  	s22 =	sadd.s32 $0x1, s22  }
0x12f: {  	p0 =	sne.s32 s22, $0x32  }
.Ltmp19:
0x130: {  	_ = 	snop;
	(pc) =	sbr.rel @p0 .LBB2_8-.Ltmp19, $2  }
0x131: {  	_ =	sdelay $0x2  }
0x132: {  	[hbm4b:s28+s4] =	stream.linear.scatter [tilespmem:s25], [sflag:$0x7], $0x80, $0x38;
	[tilespmem:$0x1E700] =	vst v63  }
0x133: {  	s21 =	sadd.s32 $0x1, s21  }
0x134: {  	_ =	swait.ge [sflag:s18], $0x1000;
	p0 =	sne.s32 s21, s10  }
.Ltmp20:
0x135: {  	[sflag:s18] =	ssyncset.done $0x0;
	(pc) =	sbr.rel @p0 .LBB2_1-.Ltmp20, $4  }
0x136: {  	[sflag:s18] =	ssyncadd.s32 $0xFFFFF000  }
0x137: {  	_ =	swait.ge [sflag:s16], $0x1000  }
0x138: {  	[sflag:s16] =	ssyncset.done $0x0  }
0x139: {  	[sflag:s16] =	ssyncadd.s32 $0xFFFFF000  }
0x13a: {  	_ =	sfence.sel $0x180000  }
0x13b: {  	[bflag:$0x0] =	sbarrier.arrive $0xFFFF  }
0x13c: {  	p0 =	sne.s32 s2, $0x0;
	_ =	strace $0x90000047  }
0x13d: {  	s0 =	sadd.s32 @!p0 $0x100000, s0;
	[bflag:$0x2] =	sbarrier.arrive $0xFFFF  }
0x13e: {  	[sflag:s0] =	ssyncadd.tile.s32 @!p0 $0x1;
	_ =	shalt  }
.Lfunc_end2:
_tile_overlayer_lowered:
.L_overlay_start_2:
0x13f: {  	(tag) =	ssettag $0x2  }
0x140: {  	s0 =	rddreg [dreg:$0x0];
	s2 =	stileid.u32  }
0x141: {  	s1 =	rddreg [dreg:$0x1];
	p0 =	sne.s32 s2, $0x0  }
0x142: {  	s3 =	rddreg [dreg:$0x2];
	[bflag:$0x3] =	sbarrier.arrive $0xFFFF;
	s2 =	simm.s32 @!p0 $0x1C08  }
0x143: {  	[timem:s3], [sflag:s2] =	dma.local @!p0 [hbm:s0], s1  }
0x144: {  	s0 =	simm.s32 @!p0 $0x8  }
0x145: {  	_ =	swait.ge @!p0 [sflag:s0], s1  }
0x146: {  	s1 =	ssub.s32 @!p0 $0x0, s1;
	[sflag:s0] =	ssyncset.done @!p0 $0x0  }
0x147: {  	[sflag:s0] =	ssyncadd.s32 @!p0 s1  }
0x148: {  	[bflag:$0x3] =	sbarrier.arrive $0xFFFF  }
0x149: {  	_ =	shalt  }

</sc_bundles>
